<compile_context>
chip_gen: v7x
topology: tpu7x:2x2x1
jax: 0.10.2.dev20260603
libtpu: 0.0.44.dev20260713+nightly
codegen_flags: <defaults>
</compile_context>

<pallas_src>
import functools

import jax
import jax.numpy as jnp
from jax import lax
from jax.experimental import pallas as pl
from jax.experimental.pallas import tpu as pltpu
from jax.experimental.pallas import tpu_sc as plsc

N = 100000
E = 6400000
DV = 128
DE = 4
DP = 8
DOUT = 128

NC = 2
NS = 16
NW = NC * NS
CHUNK = 2048
TPC = CHUNK // 128
NCHUNKS = E // CHUNK
CHUNKS_PER_TILE = -(-NCHUNKS // NW)
NPAD = 100096
ROWS_PER_TILE = NPAD // NS


def _sc_scatter_body(dst_hbm, e3_hbm, zacc_hbm, zrows_hbm, out_hbm,
                     idx_v0, st_v0, idx_v1, st_v1, rows_v, acc_sh,
                     sem0, sem1):
    c = lax.axis_index("c")
    s = lax.axis_index("s")
    w = c * NS + s

    pltpu.sync_copy(zacc_hbm,
                    acc_sh.at[pl.ds(s * ROWS_PER_TILE, ROWS_PER_TILE), :])
    pltpu.sync_copy(zrows_hbm, rows_v)
    plsc.subcore_barrier()

    lanes16 = lax.iota(jnp.int32, 16)

    def stage_start(k, idx_v, st_v, sem):
        g = w + k * NW

        @pl.when(g < NCHUNKS)
        def _():
            pltpu.async_copy(dst_hbm.at[pl.ds(g * CHUNK, CHUNK)], idx_v, sem)
            pltpu.async_copy(e3_hbm.at[pl.ds(g * TPC, TPC), :, :], st_v, sem)

    def stage_wait(k, idx_v, st_v, sem):
        g = w + k * NW

        @pl.when(g < NCHUNKS)
        def _():
            pltpu.make_async_copy(dst_hbm.at[pl.ds(g * CHUNK, CHUNK)],
                                  idx_v, sem).wait()
            pltpu.make_async_copy(e3_hbm.at[pl.ds(g * TPC, TPC), :, :],
                                  st_v, sem).wait()

    def process(k, idx_v, st_v):
        g = w + k * NW

        @pl.when(g < NCHUNKS)
        def _():
            def tile_step(t, tcarry):
                for m in range(8):
                    ridx = t * 128 + m * 16 + lanes16
                    for f in range(DE):
                        x = st_v[t, f, pl.ds(m * 16, 16)]
                        plsc.store_scatter(
                            rows_v, [ridx, jnp.full((16,), f, jnp.int32)], x)
                return tcarry

            lax.fori_loop(0, TPC, tile_step, 0)
            pltpu.sync_copy(rows_v, acc_sh.at[idx_v], add=True)

    stage_start(0, idx_v0, st_v0, sem0)

    def chunk_pair(t, carry):
        k0 = 2 * t
        stage_start(k0 + 1, idx_v1, st_v1, sem1)
        stage_wait(k0, idx_v0, st_v0, sem0)
        process(k0, idx_v0, st_v0)
        stage_start(k0 + 2, idx_v0, st_v0, sem0)
        stage_wait(k0 + 1, idx_v1, st_v1, sem1)
        process(k0 + 1, idx_v1, st_v1)
        return carry

    lax.fori_loop(0, CHUNKS_PER_TILE // 2, chunk_pair, 0)
    plsc.subcore_barrier()

    pltpu.sync_copy(acc_sh.at[pl.ds(s * ROWS_PER_TILE, ROWS_PER_TILE), :],
                    out_hbm.at[c, pl.ds(s * ROWS_PER_TILE, ROWS_PER_TILE), :])


_sc_scatter = functools.partial(
    pl.kernel,
    out_type=jax.ShapeDtypeStruct((NC, NPAD, DP), jnp.float32),
    mesh=plsc.VectorSubcoreMesh(core_axis_name="c", subcore_axis_name="s"),
    scratch_types=[
        pltpu.VMEM((CHUNK,), jnp.int32),
        pltpu.VMEM((TPC, DE, 128), jnp.float32),
        pltpu.VMEM((CHUNK,), jnp.int32),
        pltpu.VMEM((TPC, DE, 128), jnp.float32),
        pltpu.VMEM((CHUNK, DP), jnp.float32),
        pltpu.VMEM_SHARED((NPAD, DP), jnp.float32),
        pltpu.SemaphoreType.DMA,
        pltpu.SemaphoreType.DMA,
    ],
    compiler_params=pltpu.CompilerParams(use_tc_tiling_on_sc=False,
                                         needs_layout_passes=False),
)(_sc_scatter_body)


BR = 2000


def _tc_body(x_ref, p_ref, w1_ref, w2_ref, b_ref, o_ref):
    agg = p_ref[0] + p_ref[1]
    o_ref[...] = (
        jnp.dot(x_ref[...], w1_ref[...], preferred_element_type=jnp.float32)
        + jnp.dot(agg, w2_ref[...], preferred_element_type=jnp.float32)
        + b_ref[...]
    )


def _tc_matmul(x, partials, w1, w2p, b2):
    grid = (N // BR,)
    return pl.pallas_call(
        _tc_body,
        grid=grid,
        in_specs=[
            pl.BlockSpec((BR, DV), lambda i: (i, 0)),
            pl.BlockSpec((NC, BR, DP), lambda i: (0, i, 0)),
            pl.BlockSpec((DV, DOUT), lambda i: (0, 0)),
            pl.BlockSpec((DP, DOUT), lambda i: (0, 0)),
            pl.BlockSpec((1, DOUT), lambda i: (0, 0)),
        ],
        out_specs=pl.BlockSpec((BR, DOUT), lambda i: (i, 0)),
        out_shape=jax.ShapeDtypeStruct((N, DOUT), jnp.float32),
        compiler_params=pltpu.CompilerParams(
            dimension_semantics=("parallel",),
        ),
    )(x, partials, w1, w2p, b2)


def kernel(x, e, edge_index, W, b):
    dst = edge_index[1]
    e3 = e.reshape(E // 128, 128, DE).transpose(0, 2, 1)
    zacc = jnp.zeros((ROWS_PER_TILE, DP), jnp.float32)
    zrows = jnp.zeros((CHUNK, DP), jnp.float32)
    partials = _sc_scatter(dst, e3, zacc, zrows)
    w1 = W[:DV]
    w2p = jnp.concatenate([W[DV:], jnp.zeros((DP - DE, DOUT), jnp.float32)],
                          axis=0)
    b2 = b.reshape(1, DOUT)
    return _tc_matmul(x, partials, w1, w2p, b2)

# --- scband reference (transcript-rebuilt; emitter-appended) ---
"""Pipeline reference for scband-node-block-31885837206100 (READ-ONLY COPY).

The authoritative reference and input builder live on the scoring server;
editing this copy changes nothing except your own understanding.
"""

import jax, jax.numpy as jnp
import numpy as np

N = 100000
E = 6400000
DV = 128
DE = 4
DOUT = 128


def setup_inputs(seed: int = 0) -> dict:
    key = jax.random.key(seed)
    k1, k2, k3, k4, k5 = jax.random.split(key, 5)
    x = jax.random.normal(k1, (N, DV), dtype=jnp.float32)
    e = jax.random.normal(k2, (E, DE), dtype=jnp.float32)
    edge_index = jax.random.randint(k3, (2, E), 0, N, dtype=jnp.int32)
    # nn.Linear(in_feats=DV+DE, out_feats=DOUT) parameters (kaiming-uniform-ish init)
    bound = 1.0 / np.sqrt(DV + DE)
    W = jax.random.uniform(k4, (DV + DE, DOUT), dtype=jnp.float32, minval=-bound, maxval=bound)
    b = jax.random.uniform(k5, (DOUT,), dtype=jnp.float32, minval=-bound, maxval=bound)
    return {"x": x, "e": e, "edge_index": edge_index, "W": W, "b": b}


def reference(x, e, edge_index, W, b):
    # NodeBlock with use_nodes=True, use_received_edges=True,
    # received_edges_reducer='sum', no globals, no sent edges, non-recurrent.
    # DGL update_all(copy_e('e','m'), recv) with sum over mailbox ==
    # scatter-add of edge features to destination nodes.
    dst = edge_index[1]
    agg_edge_attr = jax.ops.segment_sum(e, dst, num_segments=x.shape[0])
    collected = jnp.concatenate([x, agg_edge_attr], axis=-1)
    h_v = collected @ W + b  # self.net = nn.Linear(in_feats, out_feats)
    return h_v

if __name__ == "__main__":
    import jax
    _d = setup_inputs()
    print(jax.jit(kernel)(*tuple(_d.values())))

</pallas_src>

<mosaic_0001>
#map = affine_map<(d0, d1) -> (0)>
#map1 = affine_map<(d0, d1) -> (0, 0, 0)>
#map2 = affine_map<(d0, d1) -> (0, 0)>
module attributes {stable_mosaic.version = 14 : i64} {
  func.func @_sc_scatter_body(%arg0: i32, %arg1: i32, %arg2: memref<6400000xi32, #tpu.memory_space<hbm>>, %arg3: memref<50000x4x128xf32, #tpu.memory_space<hbm>>, %arg4: memref<6256x8xf32, #tpu.memory_space<hbm>>, %arg5: memref<2048x8xf32, #tpu.memory_space<hbm>>, %arg6: memref<2x100096x8xf32, #tpu.memory_space<hbm>>, %arg7: memref<2048xi32, #tpu.memory_space<vmem>>, %arg8: memref<16x4x128xf32, #tpu.memory_space<vmem>>, %arg9: memref<2048xi32, #tpu.memory_space<vmem>>, %arg10: memref<16x4x128xf32, #tpu.memory_space<vmem>>, %arg11: memref<2048x8xf32, #tpu.memory_space<vmem>>, %arg12: memref<100096x8xf32, #tpu.memory_space<vmem_shared>>, %arg13: memref<!tpu.dma_semaphore, #tpu.memory_space<semaphore_mem>>, %arg14: memref<!tpu.dma_semaphore, #tpu.memory_space<semaphore_mem>>) attributes {dimension_semantics = [#tpu.dimension_semantics<core_parallel>, #tpu.dimension_semantics<subcore_parallel>], iteration_bounds = array<i64: 2, 16>, scalar_prefetch = 0 : i64, scratch_operands = 8 : i64, tpu.core_type = #tpu.core_type<sc_vector_subcore>, window_params = [{transform_indices = #map}, {transform_indices = #map1}, {transform_indices = #map2}, {transform_indices = #map2}, {transform_indices = #map1}]} {
    %mul3A = arith.constant 16 : i32
    %mul3A_0 = arith.muli %arg0, %mul3A : i32
    %add3A = arith.addi %mul3A_0, %arg1 : i32
    %mul3A_1 = arith.constant 6256 : i32
    %mul3A_2 = arith.muli %arg1, %mul3A_1 : i32
    "tpu.region"() ({
      %run_scoped3A = tpu.sem_alloc : memref<!tpu.dma_semaphore, #tpu.memory_space<semaphore_mem>>
      %dma_start3A = arith.constant 0 : i32
      %dma_start3A_17 = tpu.memref_slice %arg12[%mul3A_2, %dma_start3A] : memref<100096x8xf32, #tpu.memory_space<vmem_shared>> -> memref<6256x8xf32, #tpu.memory_space<vmem_shared>>
      tpu.enqueue_dma source(%arg4 : memref<6256x8xf32, #tpu.memory_space<hbm>>) target(%dma_start3A_17 : memref<6256x8xf32, #tpu.memory_space<vmem_shared>>) target_semaphore(%run_scoped3A : memref<!tpu.dma_semaphore, #tpu.memory_space<semaphore_mem>>)
      %dma_wait3A = arith.constant 0 : i32
      %dma_wait3A_18 = tpu.memref_slice %arg12[%mul3A_2, %dma_wait3A] : memref<100096x8xf32, #tpu.memory_space<vmem_shared>> -> memref<6256x8xf32, #tpu.memory_space<vmem_shared>>
      tpu.wait_dma2 semaphore(%run_scoped3A : memref<!tpu.dma_semaphore, #tpu.memory_space<semaphore_mem>>) src(%arg4 : memref<6256x8xf32, #tpu.memory_space<hbm>>) dst(%dma_wait3A_18 : memref<6256x8xf32, #tpu.memory_space<vmem_shared>>)
      tpu.yield
    }) : () -> ()
    "tpu.region"() ({
      %run_scoped3A = tpu.sem_alloc : memref<!tpu.dma_semaphore, #tpu.memory_space<semaphore_mem>>
      tpu.enqueue_dma source(%arg5 : memref<2048x8xf32, #tpu.memory_space<hbm>>) target(%arg11 : memref<2048x8xf32, #tpu.memory_space<vmem>>) target_semaphore(%run_scoped3A : memref<!tpu.dma_semaphore, #tpu.memory_space<semaphore_mem>>)
      tpu.wait_dma2 semaphore(%run_scoped3A : memref<!tpu.dma_semaphore, #tpu.memory_space<semaphore_mem>>) src(%arg5 : memref<2048x8xf32, #tpu.memory_space<hbm>>) dst(%arg11 : memref<2048x8xf32, #tpu.memory_space<vmem>>)
      tpu.yield
    }) : () -> ()
    %barrier3A = arith.constant 0 : index
    tpu.barrier barrier_id(%barrier3A)
    %iota3A = tpu.iota {dimensions = array<i32: 0>} : vector<16xi32>
    %add3A_3 = arith.constant 0 : i32
    %add3A_4 = arith.addi %add3A, %add3A_3 : i32
    %lt3A = arith.constant 3125 : i32
    %lt3A_5 = arith.cmpi slt, %add3A_4, %lt3A : i32
    %convert_element_type3A = arith.extui %lt3A_5 : i1 to i32
    %cond3A = arith.constant 0 : i32
    %cond3A_6 = arith.cmpi ne, %convert_element_type3A, %cond3A : i32
    scf.if %cond3A_6 {
      %mul3A_17 = arith.constant 2048 : i32
      %mul3A_18 = arith.muli %add3A_4, %mul3A_17 : i32
      %dma_start3A = tpu.memref_slice %arg2[%mul3A_18] : memref<6400000xi32, #tpu.memory_space<hbm>> -> memref<2048xi32, #tpu.memory_space<hbm>>
      %dma_start3A_19 = tpu.memref_slice %arg2[%mul3A_18] : memref<6400000xi32, #tpu.memory_space<hbm>> -> memref<2048xi32, #tpu.memory_space<hbm>>
      tpu.enqueue_dma source(%dma_start3A_19 : memref<2048xi32, #tpu.memory_space<hbm>>) target(%arg7 : memref<2048xi32, #tpu.memory_space<vmem>>) target_semaphore(%arg13 : memref<!tpu.dma_semaphore, #tpu.memory_space<semaphore_mem>>)
      %mul3A_20 = arith.constant 16 : i32
      %mul3A_21 = arith.muli %add3A_4, %mul3A_20 : i32
      %dma_start3A_22 = arith.constant 0 : i32
      %dma_start3A_23 = arith.constant 0 : i32
      %dma_start3A_24 = tpu.memref_slice %arg3[%mul3A_21, %dma_start3A_22, %dma_start3A_23] : memref<50000x4x128xf32, #tpu.memory_space<hbm>> -> memref<16x4x128xf32, #tpu.memory_space<hbm>>
      %dma_start3A_25 = arith.constant 0 : i32
      %dma_start3A_26 = arith.constant 0 : i32
      %dma_start3A_27 = tpu.memref_slice %arg3[%mul3A_21, %dma_start3A_25, %dma_start3A_26] : memref<50000x4x128xf32, #tpu.memory_space<hbm>> -> memref<16x4x128xf32, #tpu.memory_space<hbm>>
      tpu.enqueue_dma source(%dma_start3A_27 : memref<16x4x128xf32, #tpu.memory_space<hbm>>) target(%arg8 : memref<16x4x128xf32, #tpu.memory_space<vmem>>) target_semaphore(%arg13 : memref<!tpu.dma_semaphore, #tpu.memory_space<semaphore_mem>>)
    } else {
    }
    %scan3A = arith.constant 0 : i32
    %scan3A_7 = arith.constant 0 : i32
    %scan3A_8 = arith.constant 49 : i32
    %scan3A_9 = arith.addi %scan3A_7, %scan3A_8 : i32
    %scan3A_10 = arith.constant 1 : i32
    scf.for %scan3A_17 = %scan3A_7 to %scan3A_9 step %scan3A_10  : i32 {
      %mul3A_18 = arith.constant 2 : i32
      %mul3A_19 = arith.muli %mul3A_18, %scan3A_17 : i32
      %add3A_20 = arith.constant 1 : i32
      %add3A_21 = arith.addi %mul3A_19, %add3A_20 : i32
      %mul3A_22 = arith.constant 32 : i32
      %mul3A_23 = arith.muli %add3A_21, %mul3A_22 : i32
      %add3A_24 = arith.addi %add3A, %mul3A_23 : i32
      %lt3A_25 = arith.constant 3125 : i32
      %lt3A_26 = arith.cmpi slt, %add3A_24, %lt3A_25 : i32
      %convert_element_type3A_27 = arith.extui %lt3A_26 : i1 to i32
      %cond3A_28 = arith.constant 0 : i32
      %cond3A_29 = arith.cmpi ne, %convert_element_type3A_27, %cond3A_28 : i32
      scf.if %cond3A_29 {
        %mul3A_76 = arith.constant 2048 : i32
        %mul3A_77 = arith.muli %add3A_24, %mul3A_76 : i32
        %dma_start3A = tpu.memref_slice %arg2[%mul3A_77] : memref<6400000xi32, #tpu.memory_space<hbm>> -> memref<2048xi32, #tpu.memory_space<hbm>>
        %dma_start3A_78 = tpu.memref_slice %arg2[%mul3A_77] : memref<6400000xi32, #tpu.memory_space<hbm>> -> memref<2048xi32, #tpu.memory_space<hbm>>
        tpu.enqueue_dma source(%dma_start3A_78 : memref<2048xi32, #tpu.memory_space<hbm>>) target(%arg9 : memref<2048xi32, #tpu.memory_space<vmem>>) target_semaphore(%arg14 : memref<!tpu.dma_semaphore, #tpu.memory_space<semaphore_mem>>)
        %mul3A_79 = arith.constant 16 : i32
        %mul3A_80 = arith.muli %add3A_24, %mul3A_79 : i32
        %dma_start3A_81 = arith.constant 0 : i32
        %dma_start3A_82 = arith.constant 0 : i32
        %dma_start3A_83 = tpu.memref_slice %arg3[%mul3A_80, %dma_start3A_81, %dma_start3A_82] : memref<50000x4x128xf32, #tpu.memory_space<hbm>> -> memref<16x4x128xf32, #tpu.memory_space<hbm>>
        %dma_start3A_84 = arith.constant 0 : i32
        %dma_start3A_85 = arith.constant 0 : i32
        %dma_start3A_86 = tpu.memref_slice %arg3[%mul3A_80, %dma_start3A_84, %dma_start3A_85] : memref<50000x4x128xf32, #tpu.memory_space<hbm>> -> memref<16x4x128xf32, #tpu.memory_space<hbm>>
        tpu.enqueue_dma source(%dma_start3A_86 : memref<16x4x128xf32, #tpu.memory_space<hbm>>) target(%arg10 : memref<16x4x128xf32, #tpu.memory_space<vmem>>) target_semaphore(%arg14 : memref<!tpu.dma_semaphore, #tpu.memory_space<semaphore_mem>>)
      } else {
      }
      %mul3A_30 = arith.constant 32 : i32
      %mul3A_31 = arith.muli %mul3A_19, %mul3A_30 : i32
      %add3A_32 = arith.addi %add3A, %mul3A_31 : i32
      %lt3A_33 = arith.constant 3125 : i32
      %lt3A_34 = arith.cmpi slt, %add3A_32, %lt3A_33 : i32
      %convert_element_type3A_35 = arith.extui %lt3A_34 : i1 to i32
      %cond3A_36 = arith.constant 0 : i32
      %cond3A_37 = arith.cmpi ne, %convert_element_type3A_35, %cond3A_36 : i32
      scf.if %cond3A_37 {
        %mul3A_76 = arith.constant 2048 : i32
        %mul3A_77 = arith.muli %add3A_32, %mul3A_76 : i32
        %dma_wait3A = tpu.memref_slice %arg2[%mul3A_77] : memref<6400000xi32, #tpu.memory_space<hbm>> -> memref<2048xi32, #tpu.memory_space<hbm>>
        %dma_wait3A_78 = tpu.memref_slice %arg2[%mul3A_77] : memref<6400000xi32, #tpu.memory_space<hbm>> -> memref<2048xi32, #tpu.memory_space<hbm>>
        tpu.wait_dma2 semaphore(%arg13 : memref<!tpu.dma_semaphore, #tpu.memory_space<semaphore_mem>>) src(%dma_wait3A_78 : memref<2048xi32, #tpu.memory_space<hbm>>) dst(%arg7 : memref<2048xi32, #tpu.memory_space<vmem>>)
        %mul3A_79 = arith.constant 16 : i32
        %mul3A_80 = arith.muli %add3A_32, %mul3A_79 : i32
        %dma_wait3A_81 = arith.constant 0 : i32
        %dma_wait3A_82 = arith.constant 0 : i32
        %dma_wait3A_83 = tpu.memref_slice %arg3[%mul3A_80, %dma_wait3A_81, %dma_wait3A_82] : memref<50000x4x128xf32, #tpu.memory_space<hbm>> -> memref<16x4x128xf32, #tpu.memory_space<hbm>>
        %dma_wait3A_84 = arith.constant 0 : i32
        %dma_wait3A_85 = arith.constant 0 : i32
        %dma_wait3A_86 = tpu.memref_slice %arg3[%mul3A_80, %dma_wait3A_84, %dma_wait3A_85] : memref<50000x4x128xf32, #tpu.memory_space<hbm>> -> memref<16x4x128xf32, #tpu.memory_space<hbm>>
        tpu.wait_dma2 semaphore(%arg13 : memref<!tpu.dma_semaphore, #tpu.memory_space<semaphore_mem>>) src(%dma_wait3A_86 : memref<16x4x128xf32, #tpu.memory_space<hbm>>) dst(%arg8 : memref<16x4x128xf32, #tpu.memory_space<vmem>>)
      } else {
      }
      %mul3A_38 = arith.constant 32 : i32
      %mul3A_39 = arith.muli %mul3A_19, %mul3A_38 : i32
      %add3A_40 = arith.addi %add3A, %mul3A_39 : i32
      %lt3A_41 = arith.constant 3125 : i32
      %lt3A_42 = arith.cmpi slt, %add3A_40, %lt3A_41 : i32
      %convert_element_type3A_43 = arith.extui %lt3A_42 : i1 to i32
      %cond3A_44 = arith.constant 0 : i32
      %cond3A_45 = arith.cmpi ne, %convert_element_type3A_43, %cond3A_44 : i32
      scf.if %cond3A_45 {
        %scan3A_76 = arith.constant 0 : i32
        %scan3A_77 = arith.constant 0 : i32
        %scan3A_78 = arith.constant 16 : i32
        %scan3A_79 = arith.addi %scan3A_77, %scan3A_78 : i32
        %scan3A_80 = arith.constant 1 : i32
        scf.for %scan3A_82 = %scan3A_77 to %scan3A_79 step %scan3A_80  : i32 {
          %mul3A_83 = arith.constant 128 : i32
          %mul3A_84 = arith.muli %scan3A_82, %mul3A_83 : i32
          %add3A_85 = arith.constant 0 : i32
          %add3A_86 = arith.addi %mul3A_84, %add3A_85 : i32
          %add3A_87 = vector.broadcast %add3A_86 : i32 to vector<16xi32>
          %add3A_88 = arith.addi %add3A_87, %iota3A : vector<16xi32>
          %get3A = arith.constant 0 : i32
          %get3A_89 = arith.index_cast %scan3A_82 : i32 to index
          %get3A_90 = arith.index_cast %get3A : i32 to index
          %get3A_91 = arith.constant 0 : index
          %get3A_92 = tpu.vector_load %arg8[%get3A_89, %get3A_90, %get3A_91] {strides = array<i32>} : memref<16x4x128xf32, #tpu.memory_space<vmem>>, vector<16xf32>,
          %broadcast_in_dim3A = arith.constant 0 : i32
          %broadcast_in_dim3A_93 = vector.broadcast %broadcast_in_dim3A : i32 to vector<16xi32>
          tpu.vector_store_idx %arg11[%add3A_88, %broadcast_in_dim3A_93], %get3A_92 : memref<2048x8xf32, #tpu.memory_space<vmem>>[vector<16xi32>, vector<16xi32>], vector<16xf32>,
          %get3A_94 = arith.constant 1 : i32
          %get3A_95 = arith.index_cast %scan3A_82 : i32 to index
          %get3A_96 = arith.index_cast %get3A_94 : i32 to index
          %get3A_97 = arith.constant 0 : index
          %get3A_98 = tpu.vector_load %arg8[%get3A_95, %get3A_96, %get3A_97] {strides = array<i32>} : memref<16x4x128xf32, #tpu.memory_space<vmem>>, vector<16xf32>,
          %broadcast_in_dim3A_99 = arith.constant 1 : i32
          %broadcast_in_dim3A_100 = vector.broadcast %broadcast_in_dim3A_99 : i32 to vector<16xi32>
          tpu.vector_store_idx %arg11[%add3A_88, %broadcast_in_dim3A_100], %get3A_98 : memref<2048x8xf32, #tpu.memory_space<vmem>>[vector<16xi32>, vector<16xi32>], vector<16xf32>,
          %get3A_101 = arith.constant 2 : i32
          %get3A_102 = arith.index_cast %scan3A_82 : i32 to index
          %get3A_103 = arith.index_cast %get3A_101 : i32 to index
          %get3A_104 = arith.constant 0 : index
          %get3A_105 = tpu.vector_load %arg8[%get3A_102, %get3A_103, %get3A_104] {strides = array<i32>} : memref<16x4x128xf32, #tpu.memory_space<vmem>>, vector<16xf32>,
          %broadcast_in_dim3A_106 = arith.constant 2 : i32
          %broadcast_in_dim3A_107 = vector.broadcast %broadcast_in_dim3A_106 : i32 to vector<16xi32>
          tpu.vector_store_idx %arg11[%add3A_88, %broadcast_in_dim3A_107], %get3A_105 : memref<2048x8xf32, #tpu.memory_space<vmem>>[vector<16xi32>, vector<16xi32>], vector<16xf32>,
          %get3A_108 = arith.constant 3 : i32
          %get3A_109 = arith.index_cast %scan3A_82 : i32 to index
          %get3A_110 = arith.index_cast %get3A_108 : i32 to index
          %get3A_111 = arith.constant 0 : index
          %get3A_112 = tpu.vector_load %arg8[%get3A_109, %get3A_110, %get3A_111] {strides = array<i32>} : memref<16x4x128xf32, #tpu.memory_space<vmem>>, vector<16xf32>,
          %broadcast_in_dim3A_113 = arith.constant 3 : i32
          %broadcast_in_dim3A_114 = vector.broadcast %broadcast_in_dim3A_113 : i32 to vector<16xi32>
          tpu.vector_store_idx %arg11[%add3A_88, %broadcast_in_dim3A_114], %get3A_112 : memref<2048x8xf32, #tpu.memory_space<vmem>>[vector<16xi32>, vector<16xi32>], vector<16xf32>,
          %mul3A_115 = arith.constant 128 : i32
          %mul3A_116 = arith.muli %scan3A_82, %mul3A_115 : i32
          %add3A_117 = arith.constant 16 : i32
          %add3A_118 = arith.addi %mul3A_116, %add3A_117 : i32
          %add3A_119 = vector.broadcast %add3A_118 : i32 to vector<16xi32>
          %add3A_120 = arith.addi %add3A_119, %iota3A : vector<16xi32>
          %get3A_121 = arith.constant 0 : i32
          %get3A_122 = arith.index_cast %scan3A_82 : i32 to index
          %get3A_123 = arith.index_cast %get3A_121 : i32 to index
          %get3A_124 = arith.constant 16 : index
          %get3A_125 = tpu.vector_load %arg8[%get3A_122, %get3A_123, %get3A_124] {strides = array<i32>} : memref<16x4x128xf32, #tpu.memory_space<vmem>>, vector<16xf32>,
          %broadcast_in_dim3A_126 = arith.constant 0 : i32
          %broadcast_in_dim3A_127 = vector.broadcast %broadcast_in_dim3A_126 : i32 to vector<16xi32>
          tpu.vector_store_idx %arg11[%add3A_120, %broadcast_in_dim3A_127], %get3A_125 : memref<2048x8xf32, #tpu.memory_space<vmem>>[vector<16xi32>, vector<16xi32>], vector<16xf32>,
          %get3A_128 = arith.constant 1 : i32
          %get3A_129 = arith.index_cast %scan3A_82 : i32 to index
          %get3A_130 = arith.index_cast %get3A_128 : i32 to index
          %get3A_131 = arith.constant 16 : index
          %get3A_132 = tpu.vector_load %arg8[%get3A_129, %get3A_130, %get3A_131] {strides = array<i32>} : memref<16x4x128xf32, #tpu.memory_space<vmem>>, vector<16xf32>,
          %broadcast_in_dim3A_133 = arith.constant 1 : i32
          %broadcast_in_dim3A_134 = vector.broadcast %broadcast_in_dim3A_133 : i32 to vector<16xi32>
          tpu.vector_store_idx %arg11[%add3A_120, %broadcast_in_dim3A_134], %get3A_132 : memref<2048x8xf32, #tpu.memory_space<vmem>>[vector<16xi32>, vector<16xi32>], vector<16xf32>,
          %get3A_135 = arith.constant 2 : i32
          %get3A_136 = arith.index_cast %scan3A_82 : i32 to index
          %get3A_137 = arith.index_cast %get3A_135 : i32 to index
          %get3A_138 = arith.constant 16 : index
          %get3A_139 = tpu.vector_load %arg8[%get3A_136, %get3A_137, %get3A_138] {strides = array<i32>} : memref<16x4x128xf32, #tpu.memory_space<vmem>>, vector<16xf32>,
          %broadcast_in_dim3A_140 = arith.constant 2 : i32
          %broadcast_in_dim3A_141 = vector.broadcast %broadcast_in_dim3A_140 : i32 to vector<16xi32>
          tpu.vector_store_idx %arg11[%add3A_120, %broadcast_in_dim3A_141], %get3A_139 : memref<2048x8xf32, #tpu.memory_space<vmem>>[vector<16xi32>, vector<16xi32>], vector<16xf32>,
          %get3A_142 = arith.constant 3 : i32
          %get3A_143 = arith.index_cast %scan3A_82 : i32 to index
          %get3A_144 = arith.index_cast %get3A_142 : i32 to index
          %get3A_145 = arith.constant 16 : index
          %get3A_146 = tpu.vector_load %arg8[%get3A_143, %get3A_144, %get3A_145] {strides = array<i32>} : memref<16x4x128xf32, #tpu.memory_space<vmem>>, vector<16xf32>,
          %broadcast_in_dim3A_147 = arith.constant 3 : i32
          %broadcast_in_dim3A_148 = vector.broadcast %broadcast_in_dim3A_147 : i32 to vector<16xi32>
          tpu.vector_store_idx %arg11[%add3A_120, %broadcast_in_dim3A_148], %get3A_146 : memref<2048x8xf32, #tpu.memory_space<vmem>>[vector<16xi32>, vector<16xi32>], vector<16xf32>,
          %mul3A_149 = arith.constant 128 : i32
          %mul3A_150 = arith.muli %scan3A_82, %mul3A_149 : i32
          %add3A_151 = arith.constant 32 : i32
          %add3A_152 = arith.addi %mul3A_150, %add3A_151 : i32
          %add3A_153 = vector.broadcast %add3A_152 : i32 to vector<16xi32>
          %add3A_154 = arith.addi %add3A_153, %iota3A : vector<16xi32>
          %get3A_155 = arith.constant 0 : i32
          %get3A_156 = arith.index_cast %scan3A_82 : i32 to index
          %get3A_157 = arith.index_cast %get3A_155 : i32 to index
          %get3A_158 = arith.constant 32 : index
          %get3A_159 = tpu.vector_load %arg8[%get3A_156, %get3A_157, %get3A_158] {strides = array<i32>} : memref<16x4x128xf32, #tpu.memory_space<vmem>>, vector<16xf32>,
          %broadcast_in_dim3A_160 = arith.constant 0 : i32
          %broadcast_in_dim3A_161 = vector.broadcast %broadcast_in_dim3A_160 : i32 to vector<16xi32>
          tpu.vector_store_idx %arg11[%add3A_154, %broadcast_in_dim3A_161], %get3A_159 : memref<2048x8xf32, #tpu.memory_space<vmem>>[vector<16xi32>, vector<16xi32>], vector<16xf32>,
          %get3A_162 = arith.constant 1 : i32
          %get3A_163 = arith.index_cast %scan3A_82 : i32 to index
          %get3A_164 = arith.index_cast %get3A_162 : i32 to index
          %get3A_165 = arith.constant 32 : index
          %get3A_166 = tpu.vector_load %arg8[%get3A_163, %get3A_164, %get3A_165] {strides = array<i32>} : memref<16x4x128xf32, #tpu.memory_space<vmem>>, vector<16xf32>,
          %broadcast_in_dim3A_167 = arith.constant 1 : i32
          %broadcast_in_dim3A_168 = vector.broadcast %broadcast_in_dim3A_167 : i32 to vector<16xi32>
          tpu.vector_store_idx %arg11[%add3A_154, %broadcast_in_dim3A_168], %get3A_166 : memref<2048x8xf32, #tpu.memory_space<vmem>>[vector<16xi32>, vector<16xi32>], vector<16xf32>,
          %get3A_169 = arith.constant 2 : i32
          %get3A_170 = arith.index_cast %scan3A_82 : i32 to index
          %get3A_171 = arith.index_cast %get3A_169 : i32 to index
          %get3A_172 = arith.constant 32 : index
          %get3A_173 = tpu.vector_load %arg8[%get3A_170, %get3A_171, %get3A_172] {strides = array<i32>} : memref<16x4x128xf32, #tpu.memory_space<vmem>>, vector<16xf32>,
          %broadcast_in_dim3A_174 = arith.constant 2 : i32
          %broadcast_in_dim3A_175 = vector.broadcast %broadcast_in_dim3A_174 : i32 to vector<16xi32>
          tpu.vector_store_idx %arg11[%add3A_154, %broadcast_in_dim3A_175], %get3A_173 : memref<2048x8xf32, #tpu.memory_space<vmem>>[vector<16xi32>, vector<16xi32>], vector<16xf32>,
          %get3A_176 = arith.constant 3 : i32
          %get3A_177 = arith.index_cast %scan3A_82 : i32 to index
          %get3A_178 = arith.index_cast %get3A_176 : i32 to index
          %get3A_179 = arith.constant 32 : index
          %get3A_180 = tpu.vector_load %arg8[%get3A_177, %get3A_178, %get3A_179] {strides = array<i32>} : memref<16x4x128xf32, #tpu.memory_space<vmem>>, vector<16xf32>,
          %broadcast_in_dim3A_181 = arith.constant 3 : i32
          %broadcast_in_dim3A_182 = vector.broadcast %broadcast_in_dim3A_181 : i32 to vector<16xi32>
          tpu.vector_store_idx %arg11[%add3A_154, %broadcast_in_dim3A_182], %get3A_180 : memref<2048x8xf32, #tpu.memory_space<vmem>>[vector<16xi32>, vector<16xi32>], vector<16xf32>,
          %mul3A_183 = arith.constant 128 : i32
          %mul3A_184 = arith.muli %scan3A_82, %mul3A_183 : i32
          %add3A_185 = arith.constant 48 : i32
          %add3A_186 = arith.addi %mul3A_184, %add3A_185 : i32
          %add3A_187 = vector.broadcast %add3A_186 : i32 to vector<16xi32>
          %add3A_188 = arith.addi %add3A_187, %iota3A : vector<16xi32>
          %get3A_189 = arith.constant 0 : i32
          %get3A_190 = arith.index_cast %scan3A_82 : i32 to index
          %get3A_191 = arith.index_cast %get3A_189 : i32 to index
          %get3A_192 = arith.constant 48 : index
          %get3A_193 = tpu.vector_load %arg8[%get3A_190, %get3A_191, %get3A_192] {strides = array<i32>} : memref<16x4x128xf32, #tpu.memory_space<vmem>>, vector<16xf32>,
          %broadcast_in_dim3A_194 = arith.constant 0 : i32
          %broadcast_in_dim3A_195 = vector.broadcast %broadcast_in_dim3A_194 : i32 to vector<16xi32>
          tpu.vector_store_idx %arg11[%add3A_188, %broadcast_in_dim3A_195], %get3A_193 : memref<2048x8xf32, #tpu.memory_space<vmem>>[vector<16xi32>, vector<16xi32>], vector<16xf32>,
          %get3A_196 = arith.constant 1 : i32
          %get3A_197 = arith.index_cast %scan3A_82 : i32 to index
          %get3A_198 = arith.index_cast %get3A_196 : i32 to index
          %get3A_199 = arith.constant 48 : index
          %get3A_200 = tpu.vector_load %arg8[%get3A_197, %get3A_198, %get3A_199] {strides = array<i32>} : memref<16x4x128xf32, #tpu.memory_space<vmem>>, vector<16xf32>,
          %broadcast_in_dim3A_201 = arith.constant 1 : i32
          %broadcast_in_dim3A_202 = vector.broadcast %broadcast_in_dim3A_201 : i32 to vector<16xi32>
          tpu.vector_store_idx %arg11[%add3A_188, %broadcast_in_dim3A_202], %get3A_200 : memref<2048x8xf32, #tpu.memory_space<vmem>>[vector<16xi32>, vector<16xi32>], vector<16xf32>,
          %get3A_203 = arith.constant 2 : i32
          %get3A_204 = arith.index_cast %scan3A_82 : i32 to index
          %get3A_205 = arith.index_cast %get3A_203 : i32 to index
          %get3A_206 = arith.constant 48 : index
          %get3A_207 = tpu.vector_load %arg8[%get3A_204, %get3A_205, %get3A_206] {strides = array<i32>} : memref<16x4x128xf32, #tpu.memory_space<vmem>>, vector<16xf32>,
          %broadcast_in_dim3A_208 = arith.constant 2 : i32
          %broadcast_in_dim3A_209 = vector.broadcast %broadcast_in_dim3A_208 : i32 to vector<16xi32>
          tpu.vector_store_idx %arg11[%add3A_188, %broadcast_in_dim3A_209], %get3A_207 : memref<2048x8xf32, #tpu.memory_space<vmem>>[vector<16xi32>, vector<16xi32>], vector<16xf32>,
          %get3A_210 = arith.constant 3 : i32
          %get3A_211 = arith.index_cast %scan3A_82 : i32 to index
          %get3A_212 = arith.index_cast %get3A_210 : i32 to index
          %get3A_213 = arith.constant 48 : index
          %get3A_214 = tpu.vector_load %arg8[%get3A_211, %get3A_212, %get3A_213] {strides = array<i32>} : memref<16x4x128xf32, #tpu.memory_space<vmem>>, vector<16xf32>,
          %broadcast_in_dim3A_215 = arith.constant 3 : i32
          %broadcast_in_dim3A_216 = vector.broadcast %broadcast_in_dim3A_215 : i32 to vector<16xi32>
          tpu.vector_store_idx %arg11[%add3A_188, %broadcast_in_dim3A_216], %get3A_214 : memref<2048x8xf32, #tpu.memory_space<vmem>>[vector<16xi32>, vector<16xi32>], vector<16xf32>,
          %mul3A_217 = arith.constant 128 : i32
          %mul3A_218 = arith.muli %scan3A_82, %mul3A_217 : i32
          %add3A_219 = arith.constant 64 : i32
          %add3A_220 = arith.addi %mul3A_218, %add3A_219 : i32
          %add3A_221 = vector.broadcast %add3A_220 : i32 to vector<16xi32>
          %add3A_222 = arith.addi %add3A_221, %iota3A : vector<16xi32>
          %get3A_223 = arith.constant 0 : i32
          %get3A_224 = arith.index_cast %scan3A_82 : i32 to index
          %get3A_225 = arith.index_cast %get3A_223 : i32 to index
          %get3A_226 = arith.constant 64 : index
          %get3A_227 = tpu.vector_load %arg8[%get3A_224, %get3A_225, %get3A_226] {strides = array<i32>} : memref<16x4x128xf32, #tpu.memory_space<vmem>>, vector<16xf32>,
          %broadcast_in_dim3A_228 = arith.constant 0 : i32
          %broadcast_in_dim3A_229 = vector.broadcast %broadcast_in_dim3A_228 : i32 to vector<16xi32>
          tpu.vector_store_idx %arg11[%add3A_222, %broadcast_in_dim3A_229], %get3A_227 : memref<2048x8xf32, #tpu.memory_space<vmem>>[vector<16xi32>, vector<16xi32>], vector<16xf32>,
          %get3A_230 = arith.constant 1 : i32
          %get3A_231 = arith.index_cast %scan3A_82 : i32 to index
          %get3A_232 = arith.index_cast %get3A_230 : i32 to index
          %get3A_233 = arith.constant 64 : index
          %get3A_234 = tpu.vector_load %arg8[%get3A_231, %get3A_232, %get3A_233] {strides = array<i32>} : memref<16x4x128xf32, #tpu.memory_space<vmem>>, vector<16xf32>,
          %broadcast_in_dim3A_235 = arith.constant 1 : i32
          %broadcast_in_dim3A_236 = vector.broadcast %broadcast_in_dim3A_235 : i32 to vector<16xi32>
          tpu.vector_store_idx %arg11[%add3A_222, %broadcast_in_dim3A_236], %get3A_234 : memref<2048x8xf32, #tpu.memory_space<vmem>>[vector<16xi32>, vector<16xi32>], vector<16xf32>,
          %get3A_237 = arith.constant 2 : i32
          %get3A_238 = arith.index_cast %scan3A_82 : i32 to index
          %get3A_239 = arith.index_cast %get3A_237 : i32 to index
          %get3A_240 = arith.constant 64 : index
          %get3A_241 = tpu.vector_load %arg8[%get3A_238, %get3A_239, %get3A_240] {strides = array<i32>} : memref<16x4x128xf32, #tpu.memory_space<vmem>>, vector<16xf32>,
          %broadcast_in_dim3A_242 = arith.constant 2 : i32
          %broadcast_in_dim3A_243 = vector.broadcast %broadcast_in_dim3A_242 : i32 to vector<16xi32>
          tpu.vector_store_idx %arg11[%add3A_222, %broadcast_in_dim3A_243], %get3A_241 : memref<2048x8xf32, #tpu.memory_space<vmem>>[vector<16xi32>, vector<16xi32>], vector<16xf32>,
          %get3A_244 = arith.constant 3 : i32
          %get3A_245 = arith.index_cast %scan3A_82 : i32 to index
          %get3A_246 = arith.index_cast %get3A_244 : i32 to index
          %get3A_247 = arith.constant 64 : index
          %get3A_248 = tpu.vector_load %arg8[%get3A_245, %get3A_246, %get3A_247] {strides = array<i32>} : memref<16x4x128xf32, #tpu.memory_space<vmem>>, vector<16xf32>,
          %broadcast_in_dim3A_249 = arith.constant 3 : i32
          %broadcast_in_dim3A_250 = vector.broadcast %broadcast_in_dim3A_249 : i32 to vector<16xi32>
          tpu.vector_store_idx %arg11[%add3A_222, %broadcast_in_dim3A_250], %get3A_248 : memref<2048x8xf32, #tpu.memory_space<vmem>>[vector<16xi32>, vector<16xi32>], vector<16xf32>,
          %mul3A_251 = arith.constant 128 : i32
          %mul3A_252 = arith.muli %scan3A_82, %mul3A_251 : i32
          %add3A_253 = arith.constant 80 : i32
          %add3A_254 = arith.addi %mul3A_252, %add3A_253 : i32
          %add3A_255 = vector.broadcast %add3A_254 : i32 to vector<16xi32>
          %add3A_256 = arith.addi %add3A_255, %iota3A : vector<16xi32>
          %get3A_257 = arith.constant 0 : i32
          %get3A_258 = arith.index_cast %scan3A_82 : i32 to index
          %get3A_259 = arith.index_cast %get3A_257 : i32 to index
          %get3A_260 = arith.constant 80 : index
          %get3A_261 = tpu.vector_load %arg8[%get3A_258, %get3A_259, %get3A_260] {strides = array<i32>} : memref<16x4x128xf32, #tpu.memory_space<vmem>>, vector<16xf32>,
          %broadcast_in_dim3A_262 = arith.constant 0 : i32
          %broadcast_in_dim3A_263 = vector.broadcast %broadcast_in_dim3A_262 : i32 to vector<16xi32>
          tpu.vector_store_idx %arg11[%add3A_256, %broadcast_in_dim3A_263], %get3A_261 : memref<2048x8xf32, #tpu.memory_space<vmem>>[vector<16xi32>, vector<16xi32>], vector<16xf32>,
          %get3A_264 = arith.constant 1 : i32
          %get3A_265 = arith.index_cast %scan3A_82 : i32 to index
          %get3A_266 = arith.index_cast %get3A_264 : i32 to index
          %get3A_267 = arith.constant 80 : index
          %get3A_268 = tpu.vector_load %arg8[%get3A_265, %get3A_266, %get3A_267] {strides = array<i32>} : memref<16x4x128xf32, #tpu.memory_space<vmem>>, vector<16xf32>,
          %broadcast_in_dim3A_269 = arith.constant 1 : i32
          %broadcast_in_dim3A_270 = vector.broadcast %broadcast_in_dim3A_269 : i32 to vector<16xi32>
          tpu.vector_store_idx %arg11[%add3A_256, %broadcast_in_dim3A_270], %get3A_268 : memref<2048x8xf32, #tpu.memory_space<vmem>>[vector<16xi32>, vector<16xi32>], vector<16xf32>,
          %get3A_271 = arith.constant 2 : i32
          %get3A_272 = arith.index_cast %scan3A_82 : i32 to index
          %get3A_273 = arith.index_cast %get3A_271 : i32 to index
          %get3A_274 = arith.constant 80 : index
          %get3A_275 = tpu.vector_load %arg8[%get3A_272, %get3A_273, %get3A_274] {strides = array<i32>} : memref<16x4x128xf32, #tpu.memory_space<vmem>>, vector<16xf32>,
          %broadcast_in_dim3A_276 = arith.constant 2 : i32
          %broadcast_in_dim3A_277 = vector.broadcast %broadcast_in_dim3A_276 : i32 to vector<16xi32>
          tpu.vector_store_idx %arg11[%add3A_256, %broadcast_in_dim3A_277], %get3A_275 : memref<2048x8xf32, #tpu.memory_space<vmem>>[vector<16xi32>, vector<16xi32>], vector<16xf32>,
          %get3A_278 = arith.constant 3 : i32
          %get3A_279 = arith.index_cast %scan3A_82 : i32 to index
          %get3A_280 = arith.index_cast %get3A_278 : i32 to index
          %get3A_281 = arith.constant 80 : index
          %get3A_282 = tpu.vector_load %arg8[%get3A_279, %get3A_280, %get3A_281] {strides = array<i32>} : memref<16x4x128xf32, #tpu.memory_space<vmem>>, vector<16xf32>,
          %broadcast_in_dim3A_283 = arith.constant 3 : i32
          %broadcast_in_dim3A_284 = vector.broadcast %broadcast_in_dim3A_283 : i32 to vector<16xi32>
          tpu.vector_store_idx %arg11[%add3A_256, %broadcast_in_dim3A_284], %get3A_282 : memref<2048x8xf32, #tpu.memory_space<vmem>>[vector<16xi32>, vector<16xi32>], vector<16xf32>,
          %mul3A_285 = arith.constant 128 : i32
          %mul3A_286 = arith.muli %scan3A_82, %mul3A_285 : i32
          %add3A_287 = arith.constant 96 : i32
          %add3A_288 = arith.addi %mul3A_286, %add3A_287 : i32
          %add3A_289 = vector.broadcast %add3A_288 : i32 to vector<16xi32>
          %add3A_290 = arith.addi %add3A_289, %iota3A : vector<16xi32>
          %get3A_291 = arith.constant 0 : i32
          %get3A_292 = arith.index_cast %scan3A_82 : i32 to index
          %get3A_293 = arith.index_cast %get3A_291 : i32 to index
          %get3A_294 = arith.constant 96 : index
          %get3A_295 = tpu.vector_load %arg8[%get3A_292, %get3A_293, %get3A_294] {strides = array<i32>} : memref<16x4x128xf32, #tpu.memory_space<vmem>>, vector<16xf32>,
          %broadcast_in_dim3A_296 = arith.constant 0 : i32
          %broadcast_in_dim3A_297 = vector.broadcast %broadcast_in_dim3A_296 : i32 to vector<16xi32>
          tpu.vector_store_idx %arg11[%add3A_290, %broadcast_in_dim3A_297], %get3A_295 : memref<2048x8xf32, #tpu.memory_space<vmem>>[vector<16xi32>, vector<16xi32>], vector<16xf32>,
          %get3A_298 = arith.constant 1 : i32
          %get3A_299 = arith.index_cast %scan3A_82 : i32 to index
          %get3A_300 = arith.index_cast %get3A_298 : i32 to index
          %get3A_301 = arith.constant 96 : index
          %get3A_302 = tpu.vector_load %arg8[%get3A_299, %get3A_300, %get3A_301] {strides = array<i32>} : memref<16x4x128xf32, #tpu.memory_space<vmem>>, vector<16xf32>,
          %broadcast_in_dim3A_303 = arith.constant 1 : i32
          %broadcast_in_dim3A_304 = vector.broadcast %broadcast_in_dim3A_303 : i32 to vector<16xi32>
          tpu.vector_store_idx %arg11[%add3A_290, %broadcast_in_dim3A_304], %get3A_302 : memref<2048x8xf32, #tpu.memory_space<vmem>>[vector<16xi32>, vector<16xi32>], vector<16xf32>,
          %get3A_305 = arith.constant 2 : i32
          %get3A_306 = arith.index_cast %scan3A_82 : i32 to index
          %get3A_307 = arith.index_cast %get3A_305 : i32 to index
          %get3A_308 = arith.constant 96 : index
          %get3A_309 = tpu.vector_load %arg8[%get3A_306, %get3A_307, %get3A_308] {strides = array<i32>} : memref<16x4x128xf32, #tpu.memory_space<vmem>>, vector<16xf32>,
          %broadcast_in_dim3A_310 = arith.constant 2 : i32
          %broadcast_in_dim3A_311 = vector.broadcast %broadcast_in_dim3A_310 : i32 to vector<16xi32>
          tpu.vector_store_idx %arg11[%add3A_290, %broadcast_in_dim3A_311], %get3A_309 : memref<2048x8xf32, #tpu.memory_space<vmem>>[vector<16xi32>, vector<16xi32>], vector<16xf32>,
          %get3A_312 = arith.constant 3 : i32
          %get3A_313 = arith.index_cast %scan3A_82 : i32 to index
          %get3A_314 = arith.index_cast %get3A_312 : i32 to index
          %get3A_315 = arith.constant 96 : index
          %get3A_316 = tpu.vector_load %arg8[%get3A_313, %get3A_314, %get3A_315] {strides = array<i32>} : memref<16x4x128xf32, #tpu.memory_space<vmem>>, vector<16xf32>,
          %broadcast_in_dim3A_317 = arith.constant 3 : i32
          %broadcast_in_dim3A_318 = vector.broadcast %broadcast_in_dim3A_317 : i32 to vector<16xi32>
          tpu.vector_store_idx %arg11[%add3A_290, %broadcast_in_dim3A_318], %get3A_316 : memref<2048x8xf32, #tpu.memory_space<vmem>>[vector<16xi32>, vector<16xi32>], vector<16xf32>,
          %mul3A_319 = arith.constant 128 : i32
          %mul3A_320 = arith.muli %scan3A_82, %mul3A_319 : i32
          %add3A_321 = arith.constant 112 : i32
          %add3A_322 = arith.addi %mul3A_320, %add3A_321 : i32
          %add3A_323 = vector.broadcast %add3A_322 : i32 to vector<16xi32>
          %add3A_324 = arith.addi %add3A_323, %iota3A : vector<16xi32>
          %get3A_325 = arith.constant 0 : i32
          %get3A_326 = arith.index_cast %scan3A_82 : i32 to index
          %get3A_327 = arith.index_cast %get3A_325 : i32 to index
          %get3A_328 = arith.constant 112 : index
          %get3A_329 = tpu.vector_load %arg8[%get3A_326, %get3A_327, %get3A_328] {strides = array<i32>} : memref<16x4x128xf32, #tpu.memory_space<vmem>>, vector<16xf32>,
          %broadcast_in_dim3A_330 = arith.constant 0 : i32
          %broadcast_in_dim3A_331 = vector.broadcast %broadcast_in_dim3A_330 : i32 to vector<16xi32>
          tpu.vector_store_idx %arg11[%add3A_324, %broadcast_in_dim3A_331], %get3A_329 : memref<2048x8xf32, #tpu.memory_space<vmem>>[vector<16xi32>, vector<16xi32>], vector<16xf32>,
          %get3A_332 = arith.constant 1 : i32
          %get3A_333 = arith.index_cast %scan3A_82 : i32 to index
          %get3A_334 = arith.index_cast %get3A_332 : i32 to index
          %get3A_335 = arith.constant 112 : index
          %get3A_336 = tpu.vector_load %arg8[%get3A_333, %get3A_334, %get3A_335] {strides = array<i32>} : memref<16x4x128xf32, #tpu.memory_space<vmem>>, vector<16xf32>,
          %broadcast_in_dim3A_337 = arith.constant 1 : i32
          %broadcast_in_dim3A_338 = vector.broadcast %broadcast_in_dim3A_337 : i32 to vector<16xi32>
          tpu.vector_store_idx %arg11[%add3A_324, %broadcast_in_dim3A_338], %get3A_336 : memref<2048x8xf32, #tpu.memory_space<vmem>>[vector<16xi32>, vector<16xi32>], vector<16xf32>,
          %get3A_339 = arith.constant 2 : i32
          %get3A_340 = arith.index_cast %scan3A_82 : i32 to index
          %get3A_341 = arith.index_cast %get3A_339 : i32 to index
          %get3A_342 = arith.constant 112 : index
          %get3A_343 = tpu.vector_load %arg8[%get3A_340, %get3A_341, %get3A_342] {strides = array<i32>} : memref<16x4x128xf32, #tpu.memory_space<vmem>>, vector<16xf32>,
          %broadcast_in_dim3A_344 = arith.constant 2 : i32
          %broadcast_in_dim3A_345 = vector.broadcast %broadcast_in_dim3A_344 : i32 to vector<16xi32>
          tpu.vector_store_idx %arg11[%add3A_324, %broadcast_in_dim3A_345], %get3A_343 : memref<2048x8xf32, #tpu.memory_space<vmem>>[vector<16xi32>, vector<16xi32>], vector<16xf32>,
          %get3A_346 = arith.constant 3 : i32
          %get3A_347 = arith.index_cast %scan3A_82 : i32 to index
          %get3A_348 = arith.index_cast %get3A_346 : i32 to index
          %get3A_349 = arith.constant 112 : index
          %get3A_350 = tpu.vector_load %arg8[%get3A_347, %get3A_348, %get3A_349] {strides = array<i32>} : memref<16x4x128xf32, #tpu.memory_space<vmem>>, vector<16xf32>,
          %broadcast_in_dim3A_351 = arith.constant 3 : i32
          %broadcast_in_dim3A_352 = vector.broadcast %broadcast_in_dim3A_351 : i32 to vector<16xi32>
          tpu.vector_store_idx %arg11[%add3A_324, %broadcast_in_dim3A_352], %get3A_350 : memref<2048x8xf32, #tpu.memory_space<vmem>>[vector<16xi32>, vector<16xi32>], vector<16xf32>,
        }
        %scan3A_81 = arith.constant 16 : i32
        "tpu.region"() ({
          %run_scoped3A = tpu.sem_alloc : memref<!tpu.dma_semaphore, #tpu.memory_space<semaphore_mem>>
          %dma_start3A = arith.constant 0 : i32
          %dma_start3A_82 = arith.constant 0 : i32
          %dma_start3A_83 = tpu.memref_slice %arg12[%dma_start3A, %dma_start3A_82] : memref<100096x8xf32, #tpu.memory_space<vmem_shared>> -> memref<100096x8xf32, #tpu.memory_space<vmem_shared>>
          tpu.enqueue_indirect_dma source(%arg11 : memref<2048x8xf32, #tpu.memory_space<vmem>>) target(%dma_start3A_83 : memref<100096x8xf32, #tpu.memory_space<vmem_shared>>) offsets(%arg7 : memref<2048xi32, #tpu.memory_space<vmem>>) semaphore(%run_scoped3A : memref<!tpu.dma_semaphore, #tpu.memory_space<semaphore_mem>>) {add = true}
          %dma_wait3A = arith.constant 0 : i32
          %dma_wait3A_84 = arith.constant 0 : i32
          %dma_wait3A_85 = tpu.memref_slice %arg12[%dma_wait3A, %dma_wait3A_84] : memref<100096x8xf32, #tpu.memory_space<vmem_shared>> -> memref<100096x8xf32, #tpu.memory_space<vmem_shared>>
          tpu.wait_indirect_dma semaphore(%run_scoped3A : memref<!tpu.dma_semaphore, #tpu.memory_space<semaphore_mem>>) src(%arg11 : memref<2048x8xf32, #tpu.memory_space<vmem>>) dst(%dma_wait3A_85 : memref<100096x8xf32, #tpu.memory_space<vmem_shared>>)
          tpu.yield
        }) : () -> ()
      } else {
      }
      %add3A_46 = arith.constant 2 : i32
      %add3A_47 = arith.addi %mul3A_19, %add3A_46 : i32
      %mul3A_48 = arith.constant 32 : i32
      %mul3A_49 = arith.muli %add3A_47, %mul3A_48 : i32
      %add3A_50 = arith.addi %add3A, %mul3A_49 : i32
      %lt3A_51 = arith.constant 3125 : i32
      %lt3A_52 = arith.cmpi slt, %add3A_50, %lt3A_51 : i32
      %convert_element_type3A_53 = arith.extui %lt3A_52 : i1 to i32
      %cond3A_54 = arith.constant 0 : i32
      %cond3A_55 = arith.cmpi ne, %convert_element_type3A_53, %cond3A_54 : i32
      scf.if %cond3A_55 {
        %mul3A_76 = arith.constant 2048 : i32
        %mul3A_77 = arith.muli %add3A_50, %mul3A_76 : i32
        %dma_start3A = tpu.memref_slice %arg2[%mul3A_77] : memref<6400000xi32, #tpu.memory_space<hbm>> -> memref<2048xi32, #tpu.memory_space<hbm>>
        %dma_start3A_78 = tpu.memref_slice %arg2[%mul3A_77] : memref<6400000xi32, #tpu.memory_space<hbm>> -> memref<2048xi32, #tpu.memory_space<hbm>>
        tpu.enqueue_dma source(%dma_start3A_78 : memref<2048xi32, #tpu.memory_space<hbm>>) target(%arg7 : memref<2048xi32, #tpu.memory_space<vmem>>) target_semaphore(%arg13 : memref<!tpu.dma_semaphore, #tpu.memory_space<semaphore_mem>>)
        %mul3A_79 = arith.constant 16 : i32
        %mul3A_80 = arith.muli %add3A_50, %mul3A_79 : i32
        %dma_start3A_81 = arith.constant 0 : i32
        %dma_start3A_82 = arith.constant 0 : i32
        %dma_start3A_83 = tpu.memref_slice %arg3[%mul3A_80, %dma_start3A_81, %dma_start3A_82] : memref<50000x4x128xf32, #tpu.memory_space<hbm>> -> memref<16x4x128xf32, #tpu.memory_space<hbm>>
        %dma_start3A_84 = arith.constant 0 : i32
        %dma_start3A_85 = arith.constant 0 : i32
        %dma_start3A_86 = tpu.memref_slice %arg3[%mul3A_80, %dma_start3A_84, %dma_start3A_85] : memref<50000x4x128xf32, #tpu.memory_space<hbm>> -> memref<16x4x128xf32, #tpu.memory_space<hbm>>
        tpu.enqueue_dma source(%dma_start3A_86 : memref<16x4x128xf32, #tpu.memory_space<hbm>>) target(%arg8 : memref<16x4x128xf32, #tpu.memory_space<vmem>>) target_semaphore(%arg13 : memref<!tpu.dma_semaphore, #tpu.memory_space<semaphore_mem>>)
      } else {
      }
      %add3A_56 = arith.constant 1 : i32
      %add3A_57 = arith.addi %mul3A_19, %add3A_56 : i32
      %mul3A_58 = arith.constant 32 : i32
      %mul3A_59 = arith.muli %add3A_57, %mul3A_58 : i32
      %add3A_60 = arith.addi %add3A, %mul3A_59 : i32
      %lt3A_61 = arith.constant 3125 : i32
      %lt3A_62 = arith.cmpi slt, %add3A_60, %lt3A_61 : i32
      %convert_element_type3A_63 = arith.extui %lt3A_62 : i1 to i32
      %cond3A_64 = arith.constant 0 : i32
      %cond3A_65 = arith.cmpi ne, %convert_element_type3A_63, %cond3A_64 : i32
      scf.if %cond3A_65 {
        %mul3A_76 = arith.constant 2048 : i32
        %mul3A_77 = arith.muli %add3A_60, %mul3A_76 : i32
        %dma_wait3A = tpu.memref_slice %arg2[%mul3A_77] : memref<6400000xi32, #tpu.memory_space<hbm>> -> memref<2048xi32, #tpu.memory_space<hbm>>
        %dma_wait3A_78 = tpu.memref_slice %arg2[%mul3A_77] : memref<6400000xi32, #tpu.memory_space<hbm>> -> memref<2048xi32, #tpu.memory_space<hbm>>
        tpu.wait_dma2 semaphore(%arg14 : memref<!tpu.dma_semaphore, #tpu.memory_space<semaphore_mem>>) src(%dma_wait3A_78 : memref<2048xi32, #tpu.memory_space<hbm>>) dst(%arg9 : memref<2048xi32, #tpu.memory_space<vmem>>)
        %mul3A_79 = arith.constant 16 : i32
        %mul3A_80 = arith.muli %add3A_60, %mul3A_79 : i32
        %dma_wait3A_81 = arith.constant 0 : i32
        %dma_wait3A_82 = arith.constant 0 : i32
        %dma_wait3A_83 = tpu.memref_slice %arg3[%mul3A_80, %dma_wait3A_81, %dma_wait3A_82] : memref<50000x4x128xf32, #tpu.memory_space<hbm>> -> memref<16x4x128xf32, #tpu.memory_space<hbm>>
        %dma_wait3A_84 = arith.constant 0 : i32
        %dma_wait3A_85 = arith.constant 0 : i32
        %dma_wait3A_86 = tpu.memref_slice %arg3[%mul3A_80, %dma_wait3A_84, %dma_wait3A_85] : memref<50000x4x128xf32, #tpu.memory_space<hbm>> -> memref<16x4x128xf32, #tpu.memory_space<hbm>>
        tpu.wait_dma2 semaphore(%arg14 : memref<!tpu.dma_semaphore, #tpu.memory_space<semaphore_mem>>) src(%dma_wait3A_86 : memref<16x4x128xf32, #tpu.memory_space<hbm>>) dst(%arg10 : memref<16x4x128xf32, #tpu.memory_space<vmem>>)
      } else {
      }
      %add3A_66 = arith.constant 1 : i32
      %add3A_67 = arith.addi %mul3A_19, %add3A_66 : i32
      %mul3A_68 = arith.constant 32 : i32
      %mul3A_69 = arith.muli %add3A_67, %mul3A_68 : i32
      %add3A_70 = arith.addi %add3A, %mul3A_69 : i32
      %lt3A_71 = arith.constant 3125 : i32
      %lt3A_72 = arith.cmpi slt, %add3A_70, %lt3A_71 : i32
      %convert_element_type3A_73 = arith.extui %lt3A_72 : i1 to i32
      %cond3A_74 = arith.constant 0 : i32
      %cond3A_75 = arith.cmpi ne, %convert_element_type3A_73, %cond3A_74 : i32
      scf.if %cond3A_75 {
        %scan3A_76 = arith.constant 0 : i32
        %scan3A_77 = arith.constant 0 : i32
        %scan3A_78 = arith.constant 16 : i32
        %scan3A_79 = arith.addi %scan3A_77, %scan3A_78 : i32
        %scan3A_80 = arith.constant 1 : i32
        scf.for %scan3A_82 = %scan3A_77 to %scan3A_79 step %scan3A_80  : i32 {
          %mul3A_83 = arith.constant 128 : i32
          %mul3A_84 = arith.muli %scan3A_82, %mul3A_83 : i32
          %add3A_85 = arith.constant 0 : i32
          %add3A_86 = arith.addi %mul3A_84, %add3A_85 : i32
          %add3A_87 = vector.broadcast %add3A_86 : i32 to vector<16xi32>
          %add3A_88 = arith.addi %add3A_87, %iota3A : vector<16xi32>
          %get3A = arith.constant 0 : i32
          %get3A_89 = arith.index_cast %scan3A_82 : i32 to index
          %get3A_90 = arith.index_cast %get3A : i32 to index
          %get3A_91 = arith.constant 0 : index
          %get3A_92 = tpu.vector_load %arg10[%get3A_89, %get3A_90, %get3A_91] {strides = array<i32>} : memref<16x4x128xf32, #tpu.memory_space<vmem>>, vector<16xf32>,
          %broadcast_in_dim3A = arith.constant 0 : i32
          %broadcast_in_dim3A_93 = vector.broadcast %broadcast_in_dim3A : i32 to vector<16xi32>
          tpu.vector_store_idx %arg11[%add3A_88, %broadcast_in_dim3A_93], %get3A_92 : memref<2048x8xf32, #tpu.memory_space<vmem>>[vector<16xi32>, vector<16xi32>], vector<16xf32>,
          %get3A_94 = arith.constant 1 : i32
          %get3A_95 = arith.index_cast %scan3A_82 : i32 to index
          %get3A_96 = arith.index_cast %get3A_94 : i32 to index
          %get3A_97 = arith.constant 0 : index
          %get3A_98 = tpu.vector_load %arg10[%get3A_95, %get3A_96, %get3A_97] {strides = array<i32>} : memref<16x4x128xf32, #tpu.memory_space<vmem>>, vector<16xf32>,
          %broadcast_in_dim3A_99 = arith.constant 1 : i32
          %broadcast_in_dim3A_100 = vector.broadcast %broadcast_in_dim3A_99 : i32 to vector<16xi32>
          tpu.vector_store_idx %arg11[%add3A_88, %broadcast_in_dim3A_100], %get3A_98 : memref<2048x8xf32, #tpu.memory_space<vmem>>[vector<16xi32>, vector<16xi32>], vector<16xf32>,
          %get3A_101 = arith.constant 2 : i32
          %get3A_102 = arith.index_cast %scan3A_82 : i32 to index
          %get3A_103 = arith.index_cast %get3A_101 : i32 to index
          %get3A_104 = arith.constant 0 : index
          %get3A_105 = tpu.vector_load %arg10[%get3A_102, %get3A_103, %get3A_104] {strides = array<i32>} : memref<16x4x128xf32, #tpu.memory_space<vmem>>, vector<16xf32>,
          %broadcast_in_dim3A_106 = arith.constant 2 : i32
          %broadcast_in_dim3A_107 = vector.broadcast %broadcast_in_dim3A_106 : i32 to vector<16xi32>
          tpu.vector_store_idx %arg11[%add3A_88, %broadcast_in_dim3A_107], %get3A_105 : memref<2048x8xf32, #tpu.memory_space<vmem>>[vector<16xi32>, vector<16xi32>], vector<16xf32>,
          %get3A_108 = arith.constant 3 : i32
          %get3A_109 = arith.index_cast %scan3A_82 : i32 to index
          %get3A_110 = arith.index_cast %get3A_108 : i32 to index
          %get3A_111 = arith.constant 0 : index
          %get3A_112 = tpu.vector_load %arg10[%get3A_109, %get3A_110, %get3A_111] {strides = array<i32>} : memref<16x4x128xf32, #tpu.memory_space<vmem>>, vector<16xf32>,
          %broadcast_in_dim3A_113 = arith.constant 3 : i32
          %broadcast_in_dim3A_114 = vector.broadcast %broadcast_in_dim3A_113 : i32 to vector<16xi32>
          tpu.vector_store_idx %arg11[%add3A_88, %broadcast_in_dim3A_114], %get3A_112 : memref<2048x8xf32, #tpu.memory_space<vmem>>[vector<16xi32>, vector<16xi32>], vector<16xf32>,
          %mul3A_115 = arith.constant 128 : i32
          %mul3A_116 = arith.muli %scan3A_82, %mul3A_115 : i32
          %add3A_117 = arith.constant 16 : i32
          %add3A_118 = arith.addi %mul3A_116, %add3A_117 : i32
          %add3A_119 = vector.broadcast %add3A_118 : i32 to vector<16xi32>
          %add3A_120 = arith.addi %add3A_119, %iota3A : vector<16xi32>
          %get3A_121 = arith.constant 0 : i32
          %get3A_122 = arith.index_cast %scan3A_82 : i32 to index
          %get3A_123 = arith.index_cast %get3A_121 : i32 to index
          %get3A_124 = arith.constant 16 : index
          %get3A_125 = tpu.vector_load %arg10[%get3A_122, %get3A_123, %get3A_124] {strides = array<i32>} : memref<16x4x128xf32, #tpu.memory_space<vmem>>, vector<16xf32>,
          %broadcast_in_dim3A_126 = arith.constant 0 : i32
          %broadcast_in_dim3A_127 = vector.broadcast %broadcast_in_dim3A_126 : i32 to vector<16xi32>
          tpu.vector_store_idx %arg11[%add3A_120, %broadcast_in_dim3A_127], %get3A_125 : memref<2048x8xf32, #tpu.memory_space<vmem>>[vector<16xi32>, vector<16xi32>], vector<16xf32>,
          %get3A_128 = arith.constant 1 : i32
          %get3A_129 = arith.index_cast %scan3A_82 : i32 to index
          %get3A_130 = arith.index_cast %get3A_128 : i32 to index
          %get3A_131 = arith.constant 16 : index
          %get3A_132 = tpu.vector_load %arg10[%get3A_129, %get3A_130, %get3A_131] {strides = array<i32>} : memref<16x4x128xf32, #tpu.memory_space<vmem>>, vector<16xf32>,
          %broadcast_in_dim3A_133 = arith.constant 1 : i32
          %broadcast_in_dim3A_134 = vector.broadcast %broadcast_in_dim3A_133 : i32 to vector<16xi32>
          tpu.vector_store_idx %arg11[%add3A_120, %broadcast_in_dim3A_134], %get3A_132 : memref<2048x8xf32, #tpu.memory_space<vmem>>[vector<16xi32>, vector<16xi32>], vector<16xf32>,
          %get3A_135 = arith.constant 2 : i32
          %get3A_136 = arith.index_cast %scan3A_82 : i32 to index
          %get3A_137 = arith.index_cast %get3A_135 : i32 to index
          %get3A_138 = arith.constant 16 : index
          %get3A_139 = tpu.vector_load %arg10[%get3A_136, %get3A_137, %get3A_138] {strides = array<i32>} : memref<16x4x128xf32, #tpu.memory_space<vmem>>, vector<16xf32>,
          %broadcast_in_dim3A_140 = arith.constant 2 : i32
          %broadcast_in_dim3A_141 = vector.broadcast %broadcast_in_dim3A_140 : i32 to vector<16xi32>
          tpu.vector_store_idx %arg11[%add3A_120, %broadcast_in_dim3A_141], %get3A_139 : memref<2048x8xf32, #tpu.memory_space<vmem>>[vector<16xi32>, vector<16xi32>], vector<16xf32>,
          %get3A_142 = arith.constant 3 : i32
          %get3A_143 = arith.index_cast %scan3A_82 : i32 to index
          %get3A_144 = arith.index_cast %get3A_142 : i32 to index
          %get3A_145 = arith.constant 16 : index
          %get3A_146 = tpu.vector_load %arg10[%get3A_143, %get3A_144, %get3A_145] {strides = array<i32>} : memref<16x4x128xf32, #tpu.memory_space<vmem>>, vector<16xf32>,
          %broadcast_in_dim3A_147 = arith.constant 3 : i32
          %broadcast_in_dim3A_148 = vector.broadcast %broadcast_in_dim3A_147 : i32 to vector<16xi32>
          tpu.vector_store_idx %arg11[%add3A_120, %broadcast_in_dim3A_148], %get3A_146 : memref<2048x8xf32, #tpu.memory_space<vmem>>[vector<16xi32>, vector<16xi32>], vector<16xf32>,
          %mul3A_149 = arith.constant 128 : i32
          %mul3A_150 = arith.muli %scan3A_82, %mul3A_149 : i32
          %add3A_151 = arith.constant 32 : i32
          %add3A_152 = arith.addi %mul3A_150, %add3A_151 : i32
          %add3A_153 = vector.broadcast %add3A_152 : i32 to vector<16xi32>
          %add3A_154 = arith.addi %add3A_153, %iota3A : vector<16xi32>
          %get3A_155 = arith.constant 0 : i32
          %get3A_156 = arith.index_cast %scan3A_82 : i32 to index
          %get3A_157 = arith.index_cast %get3A_155 : i32 to index
          %get3A_158 = arith.constant 32 : index
          %get3A_159 = tpu.vector_load %arg10[%get3A_156, %get3A_157, %get3A_158] {strides = array<i32>} : memref<16x4x128xf32, #tpu.memory_space<vmem>>, vector<16xf32>,
          %broadcast_in_dim3A_160 = arith.constant 0 : i32
          %broadcast_in_dim3A_161 = vector.broadcast %broadcast_in_dim3A_160 : i32 to vector<16xi32>
          tpu.vector_store_idx %arg11[%add3A_154, %broadcast_in_dim3A_161], %get3A_159 : memref<2048x8xf32, #tpu.memory_space<vmem>>[vector<16xi32>, vector<16xi32>], vector<16xf32>,
          %get3A_162 = arith.constant 1 : i32
          %get3A_163 = arith.index_cast %scan3A_82 : i32 to index
          %get3A_164 = arith.index_cast %get3A_162 : i32 to index
          %get3A_165 = arith.constant 32 : index
          %get3A_166 = tpu.vector_load %arg10[%get3A_163, %get3A_164, %get3A_165] {strides = array<i32>} : memref<16x4x128xf32, #tpu.memory_space<vmem>>, vector<16xf32>,
          %broadcast_in_dim3A_167 = arith.constant 1 : i32
          %broadcast_in_dim3A_168 = vector.broadcast %broadcast_in_dim3A_167 : i32 to vector<16xi32>
          tpu.vector_store_idx %arg11[%add3A_154, %broadcast_in_dim3A_168], %get3A_166 : memref<2048x8xf32, #tpu.memory_space<vmem>>[vector<16xi32>, vector<16xi32>], vector<16xf32>,
          %get3A_169 = arith.constant 2 : i32
          %get3A_170 = arith.index_cast %scan3A_82 : i32 to index
          %get3A_171 = arith.index_cast %get3A_169 : i32 to index
          %get3A_172 = arith.constant 32 : index
          %get3A_173 = tpu.vector_load %arg10[%get3A_170, %get3A_171, %get3A_172] {strides = array<i32>} : memref<16x4x128xf32, #tpu.memory_space<vmem>>, vector<16xf32>,
          %broadcast_in_dim3A_174 = arith.constant 2 : i32
          %broadcast_in_dim3A_175 = vector.broadcast %broadcast_in_dim3A_174 : i32 to vector<16xi32>
          tpu.vector_store_idx %arg11[%add3A_154, %broadcast_in_dim3A_175], %get3A_173 : memref<2048x8xf32, #tpu.memory_space<vmem>>[vector<16xi32>, vector<16xi32>], vector<16xf32>,
          %get3A_176 = arith.constant 3 : i32
          %get3A_177 = arith.index_cast %scan3A_82 : i32 to index
          %get3A_178 = arith.index_cast %get3A_176 : i32 to index
          %get3A_179 = arith.constant 32 : index
          %get3A_180 = tpu.vector_load %arg10[%get3A_177, %get3A_178, %get3A_179] {strides = array<i32>} : memref<16x4x128xf32, #tpu.memory_space<vmem>>, vector<16xf32>,
          %broadcast_in_dim3A_181 = arith.constant 3 : i32
          %broadcast_in_dim3A_182 = vector.broadcast %broadcast_in_dim3A_181 : i32 to vector<16xi32>
          tpu.vector_store_idx %arg11[%add3A_154, %broadcast_in_dim3A_182], %get3A_180 : memref<2048x8xf32, #tpu.memory_space<vmem>>[vector<16xi32>, vector<16xi32>], vector<16xf32>,
          %mul3A_183 = arith.constant 128 : i32
          %mul3A_184 = arith.muli %scan3A_82, %mul3A_183 : i32
          %add3A_185 = arith.constant 48 : i32
          %add3A_186 = arith.addi %mul3A_184, %add3A_185 : i32
          %add3A_187 = vector.broadcast %add3A_186 : i32 to vector<16xi32>
          %add3A_188 = arith.addi %add3A_187, %iota3A : vector<16xi32>
          %get3A_189 = arith.constant 0 : i32
          %get3A_190 = arith.index_cast %scan3A_82 : i32 to index
          %get3A_191 = arith.index_cast %get3A_189 : i32 to index
          %get3A_192 = arith.constant 48 : index
          %get3A_193 = tpu.vector_load %arg10[%get3A_190, %get3A_191, %get3A_192] {strides = array<i32>} : memref<16x4x128xf32, #tpu.memory_space<vmem>>, vector<16xf32>,
          %broadcast_in_dim3A_194 = arith.constant 0 : i32
          %broadcast_in_dim3A_195 = vector.broadcast %broadcast_in_dim3A_194 : i32 to vector<16xi32>
          tpu.vector_store_idx %arg11[%add3A_188, %broadcast_in_dim3A_195], %get3A_193 : memref<2048x8xf32, #tpu.memory_space<vmem>>[vector<16xi32>, vector<16xi32>], vector<16xf32>,
          %get3A_196 = arith.constant 1 : i32
          %get3A_197 = arith.index_cast %scan3A_82 : i32 to index
          %get3A_198 = arith.index_cast %get3A_196 : i32 to index
          %get3A_199 = arith.constant 48 : index
          %get3A_200 = tpu.vector_load %arg10[%get3A_197, %get3A_198, %get3A_199] {strides = array<i32>} : memref<16x4x128xf32, #tpu.memory_space<vmem>>, vector<16xf32>,
          %broadcast_in_dim3A_201 = arith.constant 1 : i32
          %broadcast_in_dim3A_202 = vector.broadcast %broadcast_in_dim3A_201 : i32 to vector<16xi32>
          tpu.vector_store_idx %arg11[%add3A_188, %broadcast_in_dim3A_202], %get3A_200 : memref<2048x8xf32, #tpu.memory_space<vmem>>[vector<16xi32>, vector<16xi32>], vector<16xf32>,
          %get3A_203 = arith.constant 2 : i32
          %get3A_204 = arith.index_cast %scan3A_82 : i32 to index
          %get3A_205 = arith.index_cast %get3A_203 : i32 to index
          %get3A_206 = arith.constant 48 : index
          %get3A_207 = tpu.vector_load %arg10[%get3A_204, %get3A_205, %get3A_206] {strides = array<i32>} : memref<16x4x128xf32, #tpu.memory_space<vmem>>, vector<16xf32>,
          %broadcast_in_dim3A_208 = arith.constant 2 : i32
          %broadcast_in_dim3A_209 = vector.broadcast %broadcast_in_dim3A_208 : i32 to vector<16xi32>
          tpu.vector_store_idx %arg11[%add3A_188, %broadcast_in_dim3A_209], %get3A_207 : memref<2048x8xf32, #tpu.memory_space<vmem>>[vector<16xi32>, vector<16xi32>], vector<16xf32>,
          %get3A_210 = arith.constant 3 : i32
          %get3A_211 = arith.index_cast %scan3A_82 : i32 to index
          %get3A_212 = arith.index_cast %get3A_210 : i32 to index
          %get3A_213 = arith.constant 48 : index
          %get3A_214 = tpu.vector_load %arg10[%get3A_211, %get3A_212, %get3A_213] {strides = array<i32>} : memref<16x4x128xf32, #tpu.memory_space<vmem>>, vector<16xf32>,
          %broadcast_in_dim3A_215 = arith.constant 3 : i32
          %broadcast_in_dim3A_216 = vector.broadcast %broadcast_in_dim3A_215 : i32 to vector<16xi32>
          tpu.vector_store_idx %arg11[%add3A_188, %broadcast_in_dim3A_216], %get3A_214 : memref<2048x8xf32, #tpu.memory_space<vmem>>[vector<16xi32>, vector<16xi32>], vector<16xf32>,
          %mul3A_217 = arith.constant 128 : i32
          %mul3A_218 = arith.muli %scan3A_82, %mul3A_217 : i32
          %add3A_219 = arith.constant 64 : i32
          %add3A_220 = arith.addi %mul3A_218, %add3A_219 : i32
          %add3A_221 = vector.broadcast %add3A_220 : i32 to vector<16xi32>
          %add3A_222 = arith.addi %add3A_221, %iota3A : vector<16xi32>
          %get3A_223 = arith.constant 0 : i32
          %get3A_224 = arith.index_cast %scan3A_82 : i32 to index
          %get3A_225 = arith.index_cast %get3A_223 : i32 to index
          %get3A_226 = arith.constant 64 : index
          %get3A_227 = tpu.vector_load %arg10[%get3A_224, %get3A_225, %get3A_226] {strides = array<i32>} : memref<16x4x128xf32, #tpu.memory_space<vmem>>, vector<16xf32>,
          %broadcast_in_dim3A_228 = arith.constant 0 : i32
          %broadcast_in_dim3A_229 = vector.broadcast %broadcast_in_dim3A_228 : i32 to vector<16xi32>
          tpu.vector_store_idx %arg11[%add3A_222, %broadcast_in_dim3A_229], %get3A_227 : memref<2048x8xf32, #tpu.memory_space<vmem>>[vector<16xi32>, vector<16xi32>], vector<16xf32>,
          %get3A_230 = arith.constant 1 : i32
          %get3A_231 = arith.index_cast %scan3A_82 : i32 to index
          %get3A_232 = arith.index_cast %get3A_230 : i32 to index
          %get3A_233 = arith.constant 64 : index
          %get3A_234 = tpu.vector_load %arg10[%get3A_231, %get3A_232, %get3A_233] {strides = array<i32>} : memref<16x4x128xf32, #tpu.memory_space<vmem>>, vector<16xf32>,
          %broadcast_in_dim3A_235 = arith.constant 1 : i32
          %broadcast_in_dim3A_236 = vector.broadcast %broadcast_in_dim3A_235 : i32 to vector<16xi32>
          tpu.vector_store_idx %arg11[%add3A_222, %broadcast_in_dim3A_236], %get3A_234 : memref<2048x8xf32, #tpu.memory_space<vmem>>[vector<16xi32>, vector<16xi32>], vector<16xf32>,
          %get3A_237 = arith.constant 2 : i32
          %get3A_238 = arith.index_cast %scan3A_82 : i32 to index
          %get3A_239 = arith.index_cast %get3A_237 : i32 to index
          %get3A_240 = arith.constant 64 : index
          %get3A_241 = tpu.vector_load %arg10[%get3A_238, %get3A_239, %get3A_240] {strides = array<i32>} : memref<16x4x128xf32, #tpu.memory_space<vmem>>, vector<16xf32>,
          %broadcast_in_dim3A_242 = arith.constant 2 : i32
          %broadcast_in_dim3A_243 = vector.broadcast %broadcast_in_dim3A_242 : i32 to vector<16xi32>
          tpu.vector_store_idx %arg11[%add3A_222, %broadcast_in_dim3A_243], %get3A_241 : memref<2048x8xf32, #tpu.memory_space<vmem>>[vector<16xi32>, vector<16xi32>], vector<16xf32>,
          %get3A_244 = arith.constant 3 : i32
          %get3A_245 = arith.index_cast %scan3A_82 : i32 to index
          %get3A_246 = arith.index_cast %get3A_244 : i32 to index
          %get3A_247 = arith.constant 64 : index
          %get3A_248 = tpu.vector_load %arg10[%get3A_245, %get3A_246, %get3A_247] {strides = array<i32>} : memref<16x4x128xf32, #tpu.memory_space<vmem>>, vector<16xf32>,
          %broadcast_in_dim3A_249 = arith.constant 3 : i32
          %broadcast_in_dim3A_250 = vector.broadcast %broadcast_in_dim3A_249 : i32 to vector<16xi32>
          tpu.vector_store_idx %arg11[%add3A_222, %broadcast_in_dim3A_250], %get3A_248 : memref<2048x8xf32, #tpu.memory_space<vmem>>[vector<16xi32>, vector<16xi32>], vector<16xf32>,
          %mul3A_251 = arith.constant 128 : i32
          %mul3A_252 = arith.muli %scan3A_82, %mul3A_251 : i32
          %add3A_253 = arith.constant 80 : i32
          %add3A_254 = arith.addi %mul3A_252, %add3A_253 : i32
          %add3A_255 = vector.broadcast %add3A_254 : i32 to vector<16xi32>
          %add3A_256 = arith.addi %add3A_255, %iota3A : vector<16xi32>
          %get3A_257 = arith.constant 0 : i32
          %get3A_258 = arith.index_cast %scan3A_82 : i32 to index
          %get3A_259 = arith.index_cast %get3A_257 : i32 to index
          %get3A_260 = arith.constant 80 : index
          %get3A_261 = tpu.vector_load %arg10[%get3A_258, %get3A_259, %get3A_260] {strides = array<i32>} : memref<16x4x128xf32, #tpu.memory_space<vmem>>, vector<16xf32>,
          %broadcast_in_dim3A_262 = arith.constant 0 : i32
          %broadcast_in_dim3A_263 = vector.broadcast %broadcast_in_dim3A_262 : i32 to vector<16xi32>
          tpu.vector_store_idx %arg11[%add3A_256, %broadcast_in_dim3A_263], %get3A_261 : memref<2048x8xf32, #tpu.memory_space<vmem>>[vector<16xi32>, vector<16xi32>], vector<16xf32>,
          %get3A_264 = arith.constant 1 : i32
          %get3A_265 = arith.index_cast %scan3A_82 : i32 to index
          %get3A_266 = arith.index_cast %get3A_264 : i32 to index
          %get3A_267 = arith.constant 80 : index
          %get3A_268 = tpu.vector_load %arg10[%get3A_265, %get3A_266, %get3A_267] {strides = array<i32>} : memref<16x4x128xf32, #tpu.memory_space<vmem>>, vector<16xf32>,
          %broadcast_in_dim3A_269 = arith.constant 1 : i32
          %broadcast_in_dim3A_270 = vector.broadcast %broadcast_in_dim3A_269 : i32 to vector<16xi32>
          tpu.vector_store_idx %arg11[%add3A_256, %broadcast_in_dim3A_270], %get3A_268 : memref<2048x8xf32, #tpu.memory_space<vmem>>[vector<16xi32>, vector<16xi32>], vector<16xf32>,
          %get3A_271 = arith.constant 2 : i32
          %get3A_272 = arith.index_cast %scan3A_82 : i32 to index
          %get3A_273 = arith.index_cast %get3A_271 : i32 to index
          %get3A_274 = arith.constant 80 : index
          %get3A_275 = tpu.vector_load %arg10[%get3A_272, %get3A_273, %get3A_274] {strides = array<i32>} : memref<16x4x128xf32, #tpu.memory_space<vmem>>, vector<16xf32>,
          %broadcast_in_dim3A_276 = arith.constant 2 : i32
          %broadcast_in_dim3A_277 = vector.broadcast %broadcast_in_dim3A_276 : i32 to vector<16xi32>
          tpu.vector_store_idx %arg11[%add3A_256, %broadcast_in_dim3A_277], %get3A_275 : memref<2048x8xf32, #tpu.memory_space<vmem>>[vector<16xi32>, vector<16xi32>], vector<16xf32>,
          %get3A_278 = arith.constant 3 : i32
          %get3A_279 = arith.index_cast %scan3A_82 : i32 to index
          %get3A_280 = arith.index_cast %get3A_278 : i32 to index
          %get3A_281 = arith.constant 80 : index
          %get3A_282 = tpu.vector_load %arg10[%get3A_279, %get3A_280, %get3A_281] {strides = array<i32>} : memref<16x4x128xf32, #tpu.memory_space<vmem>>, vector<16xf32>,
          %broadcast_in_dim3A_283 = arith.constant 3 : i32
          %broadcast_in_dim3A_284 = vector.broadcast %broadcast_in_dim3A_283 : i32 to vector<16xi32>
          tpu.vector_store_idx %arg11[%add3A_256, %broadcast_in_dim3A_284], %get3A_282 : memref<2048x8xf32, #tpu.memory_space<vmem>>[vector<16xi32>, vector<16xi32>], vector<16xf32>,
          %mul3A_285 = arith.constant 128 : i32
          %mul3A_286 = arith.muli %scan3A_82, %mul3A_285 : i32
          %add3A_287 = arith.constant 96 : i32
          %add3A_288 = arith.addi %mul3A_286, %add3A_287 : i32
          %add3A_289 = vector.broadcast %add3A_288 : i32 to vector<16xi32>
          %add3A_290 = arith.addi %add3A_289, %iota3A : vector<16xi32>
          %get3A_291 = arith.constant 0 : i32
          %get3A_292 = arith.index_cast %scan3A_82 : i32 to index
          %get3A_293 = arith.index_cast %get3A_291 : i32 to index
          %get3A_294 = arith.constant 96 : index
          %get3A_295 = tpu.vector_load %arg10[%get3A_292, %get3A_293, %get3A_294] {strides = array<i32>} : memref<16x4x128xf32, #tpu.memory_space<vmem>>, vector<16xf32>,
          %broadcast_in_dim3A_296 = arith.constant 0 : i32
          %broadcast_in_dim3A_297 = vector.broadcast %broadcast_in_dim3A_296 : i32 to vector<16xi32>
          tpu.vector_store_idx %arg11[%add3A_290, %broadcast_in_dim3A_297], %get3A_295 : memref<2048x8xf32, #tpu.memory_space<vmem>>[vector<16xi32>, vector<16xi32>], vector<16xf32>,
          %get3A_298 = arith.constant 1 : i32
          %get3A_299 = arith.index_cast %scan3A_82 : i32 to index
          %get3A_300 = arith.index_cast %get3A_298 : i32 to index
          %get3A_301 = arith.constant 96 : index
          %get3A_302 = tpu.vector_load %arg10[%get3A_299, %get3A_300, %get3A_301] {strides = array<i32>} : memref<16x4x128xf32, #tpu.memory_space<vmem>>, vector<16xf32>,
          %broadcast_in_dim3A_303 = arith.constant 1 : i32
          %broadcast_in_dim3A_304 = vector.broadcast %broadcast_in_dim3A_303 : i32 to vector<16xi32>
          tpu.vector_store_idx %arg11[%add3A_290, %broadcast_in_dim3A_304], %get3A_302 : memref<2048x8xf32, #tpu.memory_space<vmem>>[vector<16xi32>, vector<16xi32>], vector<16xf32>,
          %get3A_305 = arith.constant 2 : i32
          %get3A_306 = arith.index_cast %scan3A_82 : i32 to index
          %get3A_307 = arith.index_cast %get3A_305 : i32 to index
          %get3A_308 = arith.constant 96 : index
          %get3A_309 = tpu.vector_load %arg10[%get3A_306, %get3A_307, %get3A_308] {strides = array<i32>} : memref<16x4x128xf32, #tpu.memory_space<vmem>>, vector<16xf32>,
          %broadcast_in_dim3A_310 = arith.constant 2 : i32
          %broadcast_in_dim3A_311 = vector.broadcast %broadcast_in_dim3A_310 : i32 to vector<16xi32>
          tpu.vector_store_idx %arg11[%add3A_290, %broadcast_in_dim3A_311], %get3A_309 : memref<2048x8xf32, #tpu.memory_space<vmem>>[vector<16xi32>, vector<16xi32>], vector<16xf32>,
          %get3A_312 = arith.constant 3 : i32
          %get3A_313 = arith.index_cast %scan3A_82 : i32 to index
          %get3A_314 = arith.index_cast %get3A_312 : i32 to index
          %get3A_315 = arith.constant 96 : index
          %get3A_316 = tpu.vector_load %arg10[%get3A_313, %get3A_314, %get3A_315] {strides = array<i32>} : memref<16x4x128xf32, #tpu.memory_space<vmem>>, vector<16xf32>,
          %broadcast_in_dim3A_317 = arith.constant 3 : i32
          %broadcast_in_dim3A_318 = vector.broadcast %broadcast_in_dim3A_317 : i32 to vector<16xi32>
          tpu.vector_store_idx %arg11[%add3A_290, %broadcast_in_dim3A_318], %get3A_316 : memref<2048x8xf32, #tpu.memory_space<vmem>>[vector<16xi32>, vector<16xi32>], vector<16xf32>,
          %mul3A_319 = arith.constant 128 : i32
          %mul3A_320 = arith.muli %scan3A_82, %mul3A_319 : i32
          %add3A_321 = arith.constant 112 : i32
          %add3A_322 = arith.addi %mul3A_320, %add3A_321 : i32
          %add3A_323 = vector.broadcast %add3A_322 : i32 to vector<16xi32>
          %add3A_324 = arith.addi %add3A_323, %iota3A : vector<16xi32>
          %get3A_325 = arith.constant 0 : i32
          %get3A_326 = arith.index_cast %scan3A_82 : i32 to index
          %get3A_327 = arith.index_cast %get3A_325 : i32 to index
          %get3A_328 = arith.constant 112 : index
          %get3A_329 = tpu.vector_load %arg10[%get3A_326, %get3A_327, %get3A_328] {strides = array<i32>} : memref<16x4x128xf32, #tpu.memory_space<vmem>>, vector<16xf32>,
          %broadcast_in_dim3A_330 = arith.constant 0 : i32
          %broadcast_in_dim3A_331 = vector.broadcast %broadcast_in_dim3A_330 : i32 to vector<16xi32>
          tpu.vector_store_idx %arg11[%add3A_324, %broadcast_in_dim3A_331], %get3A_329 : memref<2048x8xf32, #tpu.memory_space<vmem>>[vector<16xi32>, vector<16xi32>], vector<16xf32>,
          %get3A_332 = arith.constant 1 : i32
          %get3A_333 = arith.index_cast %scan3A_82 : i32 to index
          %get3A_334 = arith.index_cast %get3A_332 : i32 to index
          %get3A_335 = arith.constant 112 : index
          %get3A_336 = tpu.vector_load %arg10[%get3A_333, %get3A_334, %get3A_335] {strides = array<i32>} : memref<16x4x128xf32, #tpu.memory_space<vmem>>, vector<16xf32>,
          %broadcast_in_dim3A_337 = arith.constant 1 : i32
          %broadcast_in_dim3A_338 = vector.broadcast %broadcast_in_dim3A_337 : i32 to vector<16xi32>
          tpu.vector_store_idx %arg11[%add3A_324, %broadcast_in_dim3A_338], %get3A_336 : memref<2048x8xf32, #tpu.memory_space<vmem>>[vector<16xi32>, vector<16xi32>], vector<16xf32>,
          %get3A_339 = arith.constant 2 : i32
          %get3A_340 = arith.index_cast %scan3A_82 : i32 to index
          %get3A_341 = arith.index_cast %get3A_339 : i32 to index
          %get3A_342 = arith.constant 112 : index
          %get3A_343 = tpu.vector_load %arg10[%get3A_340, %get3A_341, %get3A_342] {strides = array<i32>} : memref<16x4x128xf32, #tpu.memory_space<vmem>>, vector<16xf32>,
          %broadcast_in_dim3A_344 = arith.constant 2 : i32
          %broadcast_in_dim3A_345 = vector.broadcast %broadcast_in_dim3A_344 : i32 to vector<16xi32>
          tpu.vector_store_idx %arg11[%add3A_324, %broadcast_in_dim3A_345], %get3A_343 : memref<2048x8xf32, #tpu.memory_space<vmem>>[vector<16xi32>, vector<16xi32>], vector<16xf32>,
          %get3A_346 = arith.constant 3 : i32
          %get3A_347 = arith.index_cast %scan3A_82 : i32 to index
          %get3A_348 = arith.index_cast %get3A_346 : i32 to index
          %get3A_349 = arith.constant 112 : index
          %get3A_350 = tpu.vector_load %arg10[%get3A_347, %get3A_348, %get3A_349] {strides = array<i32>} : memref<16x4x128xf32, #tpu.memory_space<vmem>>, vector<16xf32>,
          %broadcast_in_dim3A_351 = arith.constant 3 : i32
          %broadcast_in_dim3A_352 = vector.broadcast %broadcast_in_dim3A_351 : i32 to vector<16xi32>
          tpu.vector_store_idx %arg11[%add3A_324, %broadcast_in_dim3A_352], %get3A_350 : memref<2048x8xf32, #tpu.memory_space<vmem>>[vector<16xi32>, vector<16xi32>], vector<16xf32>,
        }
        %scan3A_81 = arith.constant 16 : i32
        "tpu.region"() ({
          %run_scoped3A = tpu.sem_alloc : memref<!tpu.dma_semaphore, #tpu.memory_space<semaphore_mem>>
          %dma_start3A = arith.constant 0 : i32
          %dma_start3A_82 = arith.constant 0 : i32
          %dma_start3A_83 = tpu.memref_slice %arg12[%dma_start3A, %dma_start3A_82] : memref<100096x8xf32, #tpu.memory_space<vmem_shared>> -> memref<100096x8xf32, #tpu.memory_space<vmem_shared>>
          tpu.enqueue_indirect_dma source(%arg11 : memref<2048x8xf32, #tpu.memory_space<vmem>>) target(%dma_start3A_83 : memref<100096x8xf32, #tpu.memory_space<vmem_shared>>) offsets(%arg9 : memref<2048xi32, #tpu.memory_space<vmem>>) semaphore(%run_scoped3A : memref<!tpu.dma_semaphore, #tpu.memory_space<semaphore_mem>>) {add = true}
          %dma_wait3A = arith.constant 0 : i32
          %dma_wait3A_84 = arith.constant 0 : i32
          %dma_wait3A_85 = tpu.memref_slice %arg12[%dma_wait3A, %dma_wait3A_84] : memref<100096x8xf32, #tpu.memory_space<vmem_shared>> -> memref<100096x8xf32, #tpu.memory_space<vmem_shared>>
          tpu.wait_indirect_dma semaphore(%run_scoped3A : memref<!tpu.dma_semaphore, #tpu.memory_space<semaphore_mem>>) src(%arg11 : memref<2048x8xf32, #tpu.memory_space<vmem>>) dst(%dma_wait3A_85 : memref<100096x8xf32, #tpu.memory_space<vmem_shared>>)
          tpu.yield
        }) : () -> ()
      } else {
      }
    }
    %scan3A_11 = arith.constant 49 : i32
    %barrier3A_12 = arith.constant 0 : index
    tpu.barrier barrier_id(%barrier3A_12)
    %mul3A_13 = arith.constant 6256 : i32
    %mul3A_14 = arith.muli %arg1, %mul3A_13 : i32
    %mul3A_15 = arith.constant 6256 : i32
    %mul3A_16 = arith.muli %arg1, %mul3A_15 : i32
    "tpu.region"() ({
      %run_scoped3A = tpu.sem_alloc : memref<!tpu.dma_semaphore, #tpu.memory_space<semaphore_mem>>
      %dma_start3A = arith.constant 0 : i32
      %dma_start3A_17 = tpu.memref_slice %arg6[%arg0, %mul3A_16, %dma_start3A] : memref<2x100096x8xf32, #tpu.memory_space<hbm>> -> memref<1x6256x8xf32, #tpu.memory_space<hbm>>
      %dma_start3A_18 = tpu.memref_squeeze %dma_start3A_17 : memref<1x6256x8xf32, #tpu.memory_space<hbm>> -> memref<6256x8xf32, #tpu.memory_space<hbm>>
      %dma_start3A_19 = arith.constant 0 : i32
      %dma_start3A_20 = tpu.memref_slice %arg12[%mul3A_14, %dma_start3A_19] : memref<100096x8xf32, #tpu.memory_space<vmem_shared>> -> memref<6256x8xf32, #tpu.memory_space<vmem_shared>>
      tpu.enqueue_dma source(%dma_start3A_20 : memref<6256x8xf32, #tpu.memory_space<vmem_shared>>) target(%dma_start3A_18 : memref<6256x8xf32, #tpu.memory_space<hbm>>) target_semaphore(%run_scoped3A : memref<!tpu.dma_semaphore, #tpu.memory_space<semaphore_mem>>)
      %dma_wait3A = arith.constant 0 : i32
      %dma_wait3A_21 = tpu.memref_slice %arg6[%arg0, %mul3A_16, %dma_wait3A] : memref<2x100096x8xf32, #tpu.memory_space<hbm>> -> memref<1x6256x8xf32, #tpu.memory_space<hbm>>
      %dma_wait3A_22 = tpu.memref_squeeze %dma_wait3A_21 : memref<1x6256x8xf32, #tpu.memory_space<hbm>> -> memref<6256x8xf32, #tpu.memory_space<hbm>>
      %dma_wait3A_23 = arith.constant 0 : i32
      %dma_wait3A_24 = tpu.memref_slice %arg12[%mul3A_14, %dma_wait3A_23] : memref<100096x8xf32, #tpu.memory_space<vmem_shared>> -> memref<6256x8xf32, #tpu.memory_space<vmem_shared>>
      tpu.wait_dma2 semaphore(%run_scoped3A : memref<!tpu.dma_semaphore, #tpu.memory_space<semaphore_mem>>) src(%dma_wait3A_24 : memref<6256x8xf32, #tpu.memory_space<vmem_shared>>) dst(%dma_wait3A_22 : memref<6256x8xf32, #tpu.memory_space<hbm>>)
      tpu.yield
    }) : () -> ()
    return
  }
}

module attributes {stable_mosaic.version = 14 : i64} {
  func.func @_tc_body(%arg0: i32, %arg1: memref<2000x128xf32, #tpu.memory_space<vmem>>, %arg2: memref<2x2000x8xf32, #tpu.memory_space<vmem>>, %arg3: memref<128x128xf32, #tpu.memory_space<vmem>>, %arg4: memref<8x128xf32, #tpu.memory_space<vmem>>, %arg5: memref<1x128xf32, #tpu.memory_space<vmem>>, %arg6: memref<2000x128xf32, #tpu.memory_space<vmem>>) attributes {dimension_semantics = [#tpu.dimension_semantics<parallel>], iteration_bounds = array<i64: 50>, scalar_prefetch = 0 : i64, scratch_operands = 0 : i64, tpu.core_type = #tpu.core_type<tc>, window_params = [{transform_indices = @transform_0, window_bounds = array<i64: 2000, 128>}, {transform_indices = @transform_1, window_bounds = array<i64: 2, 2000, 8>}, {pipeline_mode = #tpu.pipeline_mode<synchronous>, transform_indices = @transform_2, window_bounds = array<i64: 128, 128>}, {pipeline_mode = #tpu.pipeline_mode<synchronous>, transform_indices = @transform_3, window_bounds = array<i64: 8, 128>}, {pipeline_mode = #tpu.pipeline_mode<synchronous>, transform_indices = @transform_4, window_bounds = array<i64: 1, 128>}, {transform_indices = @transform_5, window_bounds = array<i64: 2000, 128>}]} {
    %get3A = arith.constant 0 : index
    %get3A_0 = arith.constant 0 : index
    %get3A_1 = arith.constant 0 : index
    %get3A_2 = vector.load %arg2[%get3A, %get3A_0, %get3A_1] : memref<2x2000x8xf32, #tpu.memory_space<vmem>>, vector<1x2000x8xf32>
    %get3A_3 = vector.shape_cast %get3A_2 : vector<1x2000x8xf32> to vector<2000x8xf32>
    %get3A_4 = arith.constant 1 : index
    %get3A_5 = arith.constant 0 : index
    %get3A_6 = arith.constant 0 : index
    %get3A_7 = vector.load %arg2[%get3A_4, %get3A_5, %get3A_6] : memref<2x2000x8xf32, #tpu.memory_space<vmem>>, vector<1x2000x8xf32>
    %get3A_8 = vector.shape_cast %get3A_7 : vector<1x2000x8xf32> to vector<2000x8xf32>
    %add3A = arith.addf %get3A_3, %get3A_8 : vector<2000x8xf32>
    %get3A_9 = arith.constant 0 : index
    %get3A_10 = arith.constant 0 : index
    %get3A_11 = vector.load %arg1[%get3A_9, %get3A_10] : memref<2000x128xf32, #tpu.memory_space<vmem>>, vector<2000x128xf32>
    %get3A_12 = arith.constant 0 : index
    %get3A_13 = arith.constant 0 : index
    %get3A_14 = vector.load %arg3[%get3A_12, %get3A_13] : memref<128x128xf32, #tpu.memory_space<vmem>>, vector<128x128xf32>
    %dot_general3A = arith.constant dense<0.000000e+00> : vector<2000x128xf32>
    %dot_general3A_15 = tpu.matmul %get3A_11, %get3A_14, %dot_general3A {dimension_numbers = #tpu.dot_dimension_numbers<[1], [0], [0], [1], [0, 0, 1, 1], [], []>, transpose_lhs_hint = false} : vector<2000x128xf32>, vector<128x128xf32>, vector<2000x128xf32> -> vector<2000x128xf32>
    %get3A_16 = arith.constant 0 : index
    %get3A_17 = arith.constant 0 : index
    %get3A_18 = vector.load %arg4[%get3A_16, %get3A_17] : memref<8x128xf32, #tpu.memory_space<vmem>>, vector<8x128xf32>
    %dot_general3A_19 = arith.constant dense<0.000000e+00> : vector<2000x128xf32>
    %dot_general3A_20 = tpu.matmul %add3A, %get3A_18, %dot_general3A_19 {dimension_numbers = #tpu.dot_dimension_numbers<[1], [0], [0], [1], [0, 0, 1, 1], [], []>, transpose_lhs_hint = false} : vector<2000x8xf32>, vector<8x128xf32>, vector<2000x128xf32> -> vector<2000x128xf32>
    %add3A_21 = arith.addf %dot_general3A_15, %dot_general3A_20 : vector<2000x128xf32>
    %get3A_22 = arith.constant 0 : index
    %get3A_23 = arith.constant 0 : index
    %get3A_24 = vector.load %arg5[%get3A_22, %get3A_23] : memref<1x128xf32, #tpu.memory_space<vmem>>, vector<1x128xf32>
    %add3A_25 = vector.broadcast %get3A_24 : vector<1x128xf32> to vector<2000x128xf32>
    %add3A_26 = arith.addf %add3A_21, %add3A_25 : vector<2000x128xf32>
    %swap3A = arith.constant 0 : index
    %swap3A_27 = arith.constant 0 : index
    %swap3A_28 = vector.load %arg6[%swap3A, %swap3A_27] : memref<2000x128xf32, #tpu.memory_space<vmem>>, vector<2000x128xf32>
    tpu.vector_store %arg6[%swap3A, %swap3A_27], %add3A_26 {strides = array<i32>} : memref<2000x128xf32, #tpu.memory_space<vmem>>, vector<2000x128xf32>,
    return
  }
  func.func @transform_0(%arg0: i32) -> (i32, i32) {
    %c0_i32 = arith.constant 0 : i32
    %c0_i32_0 = arith.constant 0 : i32
    return %arg0, %c0_i32 : i32, i32
  }
  func.func @transform_1(%arg0: i32) -> (i32, i32, i32) {
    %c0_i32 = arith.constant 0 : i32
    %c0_i32_0 = arith.constant 0 : i32
    %c0_i32_1 = arith.constant 0 : i32
    return %c0_i32, %arg0, %c0_i32_0 : i32, i32, i32
  }
  func.func @transform_2(%arg0: i32) -> (i32, i32) {
    %c0_i32 = arith.constant 0 : i32
    %c0_i32_0 = arith.constant 0 : i32
    %c0_i32_1 = arith.constant 0 : i32
    return %c0_i32, %c0_i32_0 : i32, i32
  }
  func.func @transform_3(%arg0: i32) -> (i32, i32) {
    %c0_i32 = arith.constant 0 : i32
    %c0_i32_0 = arith.constant 0 : i32
    %c0_i32_1 = arith.constant 0 : i32
    return %c0_i32, %c0_i32_0 : i32, i32
  }
  func.func @transform_4(%arg0: i32) -> (i32, i32) {
    %c0_i32 = arith.constant 0 : i32
    %c0_i32_0 = arith.constant 0 : i32
    %c0_i32_1 = arith.constant 0 : i32
    return %c0_i32, %c0_i32_0 : i32, i32
  }
  func.func @transform_5(%arg0: i32) -> (i32, i32) {
    %c0_i32 = arith.constant 0 : i32
    %c0_i32_0 = arith.constant 0 : i32
    return %arg0, %c0_i32 : i32, i32
  }
}

</mosaic_0001>

<sc_bundles>
// kernel: kernel.4.cloned.1.call-start
scs
__scs_entry_jumppad:
0x0: {  	(pc) =	sbr.rel $0x88, $3  }
0x1: {  	(tag) =	ssettag $0x0;
	lr =	simm.s32 $0x1  }
0x2: {  	[smem:$0x3F9C] =	sst lr;
	_ =	strace $0xD0000000  }
0x3: {  	_ = 	snop  }
0x4: {  	_ = 	snop  }
0x5: {  	_ = 	snop  }
0x6: {  	_ = 	snop  }
0x7: {  	_ = 	snop  }
__scs_overlays_trampoline_lowered:
0x8: {  	[smem:$0x3FAB] =	sst s0  }
0x9: {  	[smem:$0x3FAC] =	sst s1  }
0xa: {  	[smem:$0x3FAD] =	sst s2  }
0xb: {  	[smem:$0x3FAE] =	sst s3  }
0xc: {  	[smem:$0x3FAF] =	sst s4  }
0xd: {  	[smem:$0x3FB0] =	sst s5  }
0xe: {  	[smem:$0x3FB1] =	sst s6  }
0xf: {  	[smem:$0x3FB2] =	sst s7  }
0x10: {  	[smem:$0x3FB3] =	sst s8  }
0x11: {  	[smem:$0x3FB4] =	sst s9;
	s0 =	simm.s32 @!p0 $0x0  }
0x12: {  	s1 =	sld [smem:$0x3F9A];
	s0 =	simm.s32 @p0 $0x1  }
0x13: {  	[smem:$0x3FB5] =	sst s0;
	s0 =	simm.s32 @!p1 $0x0  }
0x14: {  	s2 =	sld [smem:$0x3F99];
	s0 =	simm.s32 @p1 $0x1  }
0x15: {  	[smem:$0x3FB6] =	sst s0;
	s0 =	simm.s32 @!p2 $0x0  }
0x16: {  	s3 =	sld [smem:$0x3FDB];
	s0 =	simm.s32 @p2 $0x1  }
0x17: {  	s4 =	simm.s32 $0x1BF5;
	[smem:$0x3FB8] =	sst s0  }
0x18: {  	s0 =	sld [smem:$0x3F9B];
	_ =	swait.ge [sflag:s4], $0x0  }
0x19: {  	s7 =	sld [smem:$0x3F9C]  }
0x1a: {  	s8 =	sadd.s32 $0xFFFFE003, lr  }
0x1b: {  	s9 =	sadd.s32 $0xFFFFFEF7, lr;
	s5 =	simm.s32 $0xFFFFFFFF;
	p2 =	slt.u32 s8, $0xFFFFF086  }
0x1c: {  	p1 =	slt.u32 s9, $0xF7A;
	s5 =	simm.s32 @!p2 $0x0  }
0x1d: {  	s5 =	simm.s32 @p1 $0x1;
	p0 =	seq.s32 s7, s2  }
0x1e: {  	s7 =	smul.u32 @!p0 $0xF7A, s2;
	p2 =	seq.s32 @!p0 s5, $0x0  }
0x1f: {  	s9 =	smul.u32 $0xF7A, s1;
	s8 =	simm.s32 @!p0 $0x1BF5;
	p2 =	por !p2, p0  }
0x20: {  	[sflag:s8] =	ssyncset.s32 @!p0 $0xFFFFF086;
	s6 =	sadd.s32 @!p0 s3, s7;
	s7 =	simm.s32 @!p0 $0x108  }
0x21: {  	s3 =	sadd.s32 s3, s9;
	s6 =	sadd.s32 @!p0 $0x88, s6;
	s7 =	simm.s32 @p2 $0x1082  }
0x22: {  	[simem:s7], [sflag:s8] =	dma.local @!p0 [hbm:s6], $0xF7A  }
0x23: {  	s9 =	sor.u32 $0xD0000000, s2;
	s6 =	simm.s32 $0x108;
	_ =	swait.ge @!p0 [sflag:s8], $0x0  }
0x24: {  	s3 =	sadd.s32 $0x88, s3;
	s6 =	simm.s32 @!p1 $0x1082;
	[sflag:s4] =	ssyncset.s32 $0xFFFFF086  }
0x25: {  	[simem:s6], [sflag:s4] =	dma.local [hbm:s3], $0xF7A  }
0x26: {  	[smem:$0x3F9C] =	sst s1;
	(tag) =	ssettag s2;
	_ =	strace s9  }
0x27: {  	s1 =	sld [smem:$0x3FAC]  }
0x28: {  	s2 =	sld [smem:$0x3FAD]  }
0x29: {  	s4 =	sld [smem:$0x3FAF]  }
0x2a: {  	p0 =	seq.s32 s5, $0x0;
	s5 =	sld [smem:$0x3FB0]  }
0x2b: {  	s6 =	sld [smem:$0x3FB1]  }
0x2c: {  	s7 =	sld [smem:$0x3FB2]  }
0x2d: {  	s3 =	simm.s32 $0x108;
	s8 =	sld [smem:$0x3FB3]  }
0x2e: {  	s3 =	simm.s32 @!p0 $0x1082;
	s9 =	sld [smem:$0x3FB4]  }
0x2f: {  	lr =	sadd.s32 s0, s3;
	s0 =	sld [smem:$0x3FAB]  }
0x30: {  	s3 =	sld [smem:$0x3FAE]  }
0x31: {  	[smem:$0x3FB7] =	sst s10  }
0x32: {  	s10 =	sld [smem:$0x3FB5];
	_ =	sdelay $0x3  }
0x33: {  	p0 =	seq.s32 s10, $0x1;
	s10 =	sld [smem:$0x3FB7];
	_ =	sdelay $0x3  }
0x34: {  	[smem:$0x3FB7] =	sst s10  }
0x35: {  	s10 =	sld [smem:$0x3FB6];
	_ =	sdelay $0x3  }
0x36: {  	p1 =	seq.s32 s10, $0x1;
	s10 =	sld [smem:$0x3FB7];
	_ =	sdelay $0x3  }
0x37: {  	[smem:$0x3FB7] =	sst s10  }
0x38: {  	s10 =	sld [smem:$0x3FB8]  }
0x39: {  	_ = 	snop;
	(pc) =	sbr.ind lr, $3  }
0x3a: {  	_ = 	snop  }
0x3b: {  	_ = 	snop  }
0x3c: {  	p2 =	seq.s32 s10, $0x1;
	s10 =	sld [smem:$0x3FB7]  }
0x3d: {  	_ =	shalt  }
0x3e: {  	_ =	shalt  }
0x3f: {  	_ =	shalt  }
0x40: {  	_ =	shalt  }
0x41: {  	_ =	shalt  }
0x42: {  	_ =	shalt  }
0x43: {  	_ =	shalt  }
0x44: {  	_ =	shalt  }
0x45: {  	_ =	shalt  }
0x46: {  	_ =	shalt  }
0x47: {  	_ =	shalt  }
0x48: {  	_ =	shalt  }
0x49: {  	_ =	shalt  }
0x4a: {  	_ =	shalt  }
0x4b: {  	_ =	shalt  }
0x4c: {  	_ =	shalt  }
0x4d: {  	_ =	shalt  }
0x4e: {  	_ =	shalt  }
0x4f: {  	_ =	shalt  }
0x50: {  	_ =	shalt  }
0x51: {  	_ =	shalt  }
0x52: {  	_ =	shalt  }
0x53: {  	_ =	shalt  }
0x54: {  	_ =	shalt  }
0x55: {  	_ =	shalt  }
0x56: {  	_ =	shalt  }
0x57: {  	_ =	shalt  }
0x58: {  	_ =	shalt  }
0x59: {  	_ =	shalt  }
0x5a: {  	_ =	shalt  }
0x5b: {  	_ =	shalt  }
0x5c: {  	_ =	shalt  }
0x5d: {  	_ =	shalt  }
0x5e: {  	_ =	shalt  }
0x5f: {  	_ =	shalt  }
0x60: {  	_ =	shalt  }
0x61: {  	_ =	shalt  }
0x62: {  	_ =	shalt  }
0x63: {  	_ =	shalt  }
0x64: {  	_ =	shalt  }
0x65: {  	_ =	shalt  }
0x66: {  	_ =	shalt  }
0x67: {  	_ =	shalt  }
0x68: {  	_ =	shalt  }
0x69: {  	_ =	shalt  }
0x6a: {  	_ =	shalt  }
0x6b: {  	_ =	shalt  }
0x6c: {  	_ =	shalt  }
0x6d: {  	_ =	shalt  }
0x6e: {  	_ =	shalt  }
0x6f: {  	_ =	shalt  }
0x70: {  	_ =	shalt  }
0x71: {  	_ =	shalt  }
0x72: {  	_ =	shalt  }
0x73: {  	_ =	shalt  }
0x74: {  	_ =	shalt  }
0x75: {  	_ =	shalt  }
0x76: {  	_ =	shalt  }
0x77: {  	_ =	shalt  }
0x78: {  	_ =	shalt  }
0x79: {  	_ =	shalt  }
0x7a: {  	_ =	shalt  }
0x7b: {  	_ =	shalt  }
0x7c: {  	_ =	shalt  }
0x7d: {  	_ =	shalt  }
0x7e: {  	_ =	shalt  }
0x7f: {  	_ =	shalt  }
0x80: {  	_ =	shalt  }
0x81: {  	_ =	shalt  }
0x82: {  	_ =	shalt  }
0x83: {  	_ =	shalt  }
0x84: {  	_ =	shalt  }
0x85: {  	_ =	shalt  }
0x86: {  	_ =	shalt  }
0x87: {  	_ =	shalt  }
.Lfunc_end0:
.L_simem_size_0:
called_computation_lowered:
.L_overlay_start_0:
0x88: {  	s2 =	sld [smem:$0x3FD9]  }
0x89: {  	s3 =	sld [smem:$0x3FFE];
	_ =	sdelay $0x1  }
0x8a: {  	s1 =	srdreg.scid  }
0x8b: {  	s0 =	sand.u32 $0x1, s1  }
0x8c: {  	s17 =	sshll.u32 s0, $0xA;
	s2 =	sadd.s32 s3, s2  }
0x8d: {  	s2 =	sadd.s32 s2, s17  }
0x8e: {  	[smem:$0x3FC3] =	sst s2  }
0x8f: {  	_ = 	snop  }
0x90: {  	s2 =	sld [smem:$0x3FC8]  }
0x91: {  	s18 =	sld [smem:$0x3FD0];
	(tm) =	ssettm $0x1  }
0x92: {  	s4 =	sld [smem:$0x3FFB];
	_ =	sdelay $0x3  }
0x93: {  	_ =	strace s4  }
0x94: {  	s4 =	sld [smem:$0x3FFC];
	_ =	sdelay $0x3  }
0x95: {  	_ =	strace s4  }
0x96: {  	s4 =	sld [smem:$0x3FFD];
	_ =	sdelay $0x3  }
0x97: {  	_ =	strace s4  }
0x98: {  	_ =	strace $0x8FFFFFFF  }
0x99: {  	s19 =	sld [smem:$0x3FDB];
	_ =	sdelay $0x1  }
0x9a: {  	s5 =	simm.s32 $_scs_section_size  }
0x9b: {  	s6 =	simm.s32 $_size__tile_overlayer_lowered;
	s7 =	simm.s32 $_tile_overlayer_lowered  }
0x9c: {  	s22 =	simm.s32 $0x1BFF;
	s21 =	sshll.u32 s7, $0x1;
	s4 =	sadd.s32 s5, s19  }
0x9d: {  	s8 =	simm.s32 $0x0;
	s20 =	sshll.u32 s6, $0x1;
	s6 =	sadd.s32 s21, s4  }
0x9e: {  	[timem:s8], [sflag:s22] =	dma.local [hbm:s6], s20  }
0x9f: {  	_ =	swait.ge [sflag:s22], s20  }
0xa0: {  	s5 =	ssub.s32 $0x0, s20;
	[sflag:s22] =	ssyncset.done $0x0  }
0xa1: {  	[sflag:s22] =	ssyncadd.s32 s5;
	_ =	sdelay $0x1  }
0xa2: {  	s23 =	simm.s32 $0x1B8B  }
0xa3: {  	_ =	swait.ge [sflag:s23], $0x1  }
0xa4: {  	[sflag:s23] =	ssyncset.done $0x0  }
0xa5: {  	s25 =	simm.s32 $0x1B8E;
	s24 =	sld [smem:$0x3FFE];
	[sflag:s23] =	ssyncadd.s32 $0xFFFFFFFF  }
0xa6: {  	s26 =	simm.s32 $execute0_lowered;
	[smem:$0x3FD2] =	sst s25  }
0xa7: {  	s6 =	sshll.u32 s26, $0x1;
	_ =	strace $0x80000046;
	[dreg:$0x1] =	wrdreg $0xFFFFFFFF  }
0xa8: {  	s28 =	simm.s32 $_size_execute0_lowered;
	s4 =	sadd.s32 s4, s6;
	[dreg:$0x0] =	wrdreg $0x0  }
0xa9: {  	s6 =	sshll.u32 s28, $0x1;
	[dreg:$0x2] =	wrdreg s4  }
0xaa: {  	[dreg:$0x3] =	wrdreg s6  }
0xab: {  	[dreg:$0x4] =	wrdreg $0xC0  }
0xac: {  	_ =	task [dreg:s8], $0x5FFFF  }
0xad: {  	[dreg:$0x1] =	wrdreg $0xFFFFFFFF  }
0xae: {  	[dreg:$0x0] =	wrdreg $0x60  }
0xaf: {  	[dreg:$0x2] =	wrdreg s18  }
0xb0: {  	[dreg:$0x3] =	wrdreg s2  }
0xb1: {  	[dreg:$0x4] =	wrdreg s24  }
0xb2: {  	[dreg:$0x5] =	wrdreg $0x90000  }
0xb3: {  	[dreg:$0x6] =	wrdreg $0x9  }
0xb4: {  	_ =	task.clear_ibuf [dreg:s8], $0x7FFFF;
	_ =	strace $0x90000046  }
0xb5: {  	s29 =	simm.s32 $0x9;
	_ =	strace $0x80000048  }
0xb6: {  	_ =	swait.ge [sflag:s29], $0x1  }
0xb7: {  	[sflag:s29] =	ssyncadd.s32 $0xFFFFFFFF  }
0xb8: {  	_ =	strace $0x90000048  }
0xb9: {  	_ =	sfence  }
0xba: {  	s30 =	sld [smem:$0x0];
	_ =	sdelay $0x2  }
0xbb: {  	s31 =	sshll.u32 s1, $0xD;
	s1 =	sshrl.u32 s1, $0x2  }
0xbc: {  	s3 =	sand.u32 $0x4000, s31;
	s1 =	sadd.s32 s1, s30  }
0xbd: {  	s0 =	sor.u32 s3, s0;
	s1 =	sshll.u32 s1, $0x11  }
0xbe: {  	s0 =	sor.u32 s1, s0  }
0xbf: {  	s0 =	sadd.s32 $0x8F2B, s0  }
0xc0: {  	[sflag:s0] =	ssyncadd.remote.s32 $0x1  }
0xc1: {  	_ =	sfence.sel $0xFFFF  }
0xc2: {  	[dreg:$0x0] =	wrdreg $0xFFFFFFFF;
	(pc) =	sbr.abs _section_cstart, $3  }
0xc3: {  	[dreg:$0x1] =	wrdreg $0xFFFFFFFF  }
0xc4: {  	_ =	task.clear_ibuf [dreg:s8], $0x2FFFF;
	_ =	strace $0x9FFFFFFF  }
0xc5: {  	(tm) =	ssettm $0x7FFFFFFF  }
tec
execute0_lowered:
.L_overlay_start_1:
0x0: {  	(tag) =	ssettag $0x1  }
0x1: {  	s1 =	rddreg [dreg:$0x0]  }
0x2: {  	s2 =	rddreg [dreg:$0x1]  }
0x3: {  	s8 =	rddreg [dreg:$0x2]  }
0x4: {  	s4 =	rddreg [dreg:$0x3]  }
0x5: {  	s0 =	rddreg [dreg:$0x4]  }
0x6: {  	s6 =	srdreg.scid;
	s3 =	stileid.u32;
	s5 =	simm.s32 $0x0  }
0x7: {  	s17 =	simm.s32 $0x5000;
	s18 =	simm.s32 $0x800;
	s19 =	simm.s32 $0x1  }
0x8: {  	s20 =	simm.s32 $0x4;
	s21 =	simm.s32 $0x2;
	s22 =	simm.s32 $0x2800  }
0x9: {  	s23 =	simm.s32 $0x0;
	s9 =	sand.u32 $0x1, s6;
	s10 =	smul.u32 $0xC380, s3  }
0xa: {  	[smem:$0x7FF] =	sst s5;
	s6 =	sadd.s32 $0x1400, s8;
	s29 =	sshll.u32 s3, $0x6  }
0xb: {  	s7 =	smul.u32 $0xC3800, s9;
	s12 =	ssub.s32 $0x2, s9;
	s28 =	sshll.u32 s9, $0x4  }
0xc: {  	_ =	strace $0x80000047;
	s13 =	sshrl.u32 s12, $0x1;
	s15 =	sor.u32 s3, s28  }
0xd: {  	s16 =	sadd.s32 s10, s4;
	s11 =	sadd.s32 s10, s7;
	s7 =	sadd.s32 $0xC00, s8  }
.Ltmp0:
0xe: {  	s13 =	ssub.s32 s12, s13;
	s30 =	sshll.u32 s15, $0x8;
	(pc) =	sbr.rel .LBB2_1-.Ltmp0, $4  }
0xf: {  	s31 =	sshll.u32 s15, $0xA;
	s11 =	sshrl.u32 s11, $0x3;
	s9 =	sadd.s32 s1, s30  }
0x10: {  	s10 =	sadd.s32 s2, s31;
	s13 =	smax.u32 s13, $0x1;
	s14 =	sadd.s32 s11, s8  }
0x11: {  	v0 =	vlaneseq.u32;
	s8 =	sor.u32 $0x1C03, s29;
	s11 =	sor.u32 $0x40, s15;
	s12 =	sadd.s32 $0x2E00, s14  }
0x12: {  	v0 =	vmul.u32 $0x8, v0;
	s14 =	sor.u32 $0x20, s15;
	s15 =	sshrl.u32 s16, $0x3;
	s16 =	simm.s32 $0x3  }
.LBB2_9:
0x13: {  	s23 =	sadd.s32 $0x1, s23  }
0x14: {  	p0 =	sne.s32 s23, s13  }
.Ltmp1:
0x15: {  	[bflag:$0x0] =	sbarrier.arrive $0xFFFF;
	(pc) =	sbr.rel @!p0 .LBB2_10-.Ltmp1, $4  }
0x16: {  	[hbm:s12], [sflag:s8] =	dma.local [spmem:s15], $0x1870  }
0x17: {  	_ =	swait.ge [sflag:s16], $0x1870  }
0x18: {  	[sflag:s16] =	ssyncset.done $0x0  }
0x19: {  	[sflag:s16] =	ssyncadd.s32 $0xFFFFE790  }
.LBB2_1:
0x1a: {  	[spmem:s15], [sflag:s8] =	dma.local [hbm:s6], $0x1870  }
0x1b: {  	_ =	swait.ge [sflag:s16], $0x1870  }
0x1c: {  	[sflag:s16] =	ssyncset.done $0x0  }
0x1d: {  	[sflag:s16] =	ssyncadd.s32 $0xFFFFE790  }
0x1e: {  	[tilespmem:s17], [sflag:$0x3] =	stream.linear.gather [hbm4b:s7+s5], $0x4000, $0x38;
	[tilespmem:$0x15380] =	vst v63  }
0x1f: {  	_ =	swait.ge [sflag:s16], $0x4000  }
0x20: {  	[sflag:s16] =	ssyncset.done $0x0  }
.Ltmp2:
0x21: {  	[sflag:s16] =	ssyncadd.s32 $0xFFFFC000;
	(pc) =	sbr.rel .LBB2_2-.Ltmp2, $4  }
0x22: {  	[bflag:$0x0] =	sbarrier.arrive $0xFFFF  }
0x23: {  	[tilespmem:s5], [sflag:$0x1] =	stream.linear.gather [hbm4b:s9+s5], $0x800, $0x38;
	[tilespmem:$0x15380] =	vst v63  }
0x24: {  	s24 =	simm.s32 $0x0  }
0x25: {  	[tilespmem:s18], [sflag:$0x1] =	stream.linear.gather [hbm4b:s10+s5], $0x2000, $0x38;
	[tilespmem:$0x15380] =	vst v63  }
.LBB2_8:
0x26: {  	s24 =	sadd.s32 $0x1, s24  }
0x27: {  	p0 =	sne.s32 s24, $0x31  }
.Ltmp3:
0x28: {  	_ = 	snop;
	(pc) =	sbr.rel @!p0 .LBB2_9-.Ltmp3, $1  }
0x29: {  	_ =	sdelay $0x3  }
.LBB2_2:
0x2a: {  	s25 =	sshll.u32 s24, $0x6  }
0x2b: {  	s26 =	sor.u32 s14, s25  }
0x2c: {  	p0 =	sgt.u32 s26, $0xC34  }
0x2d: {  	s28 =	sshll.u32 @!p0 s26, $0x8;
	s29 =	simm.s32 @!p0 $0x0  }
0x2e: {  	s30 =	simm.s32 @!p0 $0x2800;
	s26 =	sshll.u32 @!p0 s26, $0xA;
	s28 =	sadd.s32 @!p0 s1, s28  }
0x2f: {  	[tilespmem:s30], [sflag:$0x2] =	stream.linear.gather @!p0 [hbm4b:s28+s29], $0x800, $0x38;
	[tilespmem:$0x15380] =	vst v63  }
0x30: {  	s26 =	sadd.s32 @!p0 s2, s26;
	s28 =	simm.s32 @!p0 $0x3000  }
0x31: {  	[tilespmem:s28], [sflag:$0x2] =	stream.linear.gather @!p0 [hbm4b:s26+s29], $0x2000, $0x38;
	[tilespmem:$0x15380] =	vst v63  }
0x32: {  	_ =	swait.ge [sflag:s19], $0x800  }
0x33: {  	[sflag:s19] =	ssyncset.done $0x0  }
0x34: {  	[sflag:s19] =	ssyncadd.s32 $0xFFFFF800  }
0x35: {  	s31 =	simm.s32 $0x0;
	_ =	swait.ge [sflag:s19], $0x2000  }
0x36: {  	v1 =	vmov s31;
	[sflag:s19] =	ssyncset.done $0x0  }
0x37: {  	v1 =	vshll.u32 v1, $0x3;
	s26 =	simm.s32 $0x900;
	[sflag:s19] =	ssyncadd.s32 $0xFFFFE000  }
0x38: {  	v1 =	vor.u32 v0, v1;
	v2 =	vld [tilespmem:s26+$0xFFFFFF00];
	_ =	sdelay $0x4  }
0x39: {  	[tilespmem:v1+s17+$0x0] =	vst.idx.msk $0xffff, v2  }
0x3a: {  	v3 =	vor.u32 $0x1, v1;
	v2 =	vld [tilespmem:s26+$0xFFFFFF80];
	_ =	sdelay $0x4  }
0x3b: {  	[tilespmem:v3+s17+$0x0] =	vst.idx.msk $0xffff, v2  }
0x3c: {  	v3 =	vor.u32 $0x2, v1;
	v2 =	vld [tilespmem:s26+$0x0];
	_ =	sdelay $0x4  }
0x3d: {  	[tilespmem:v3+s17+$0x0] =	vst.idx.msk $0xffff, v2  }
0x3e: {  	v1 =	vor.u32 $0x3, v1;
	v2 =	vld [tilespmem:s26+$0x80];
	_ =	sdelay $0x2  }
0x3f: {  	s28 =	simm.s32 $0x10  }
0x40: {  	v3 =	vmov s28  }
0x41: {  	[tilespmem:v1+s17+$0x0] =	vst.idx.msk $0xffff, v2;
	v1 =	vshll.u32 v3, $0x3  }
0x42: {  	v2 =	vld [tilespmem:s26+$0xFFFFFF10];
	v1 =	vor.u32 v0, v1;
	_ =	sdelay $0x4  }
0x43: {  	[tilespmem:v1+s17+$0x0] =	vst.idx.msk $0xffff, v2  }
0x44: {  	v3 =	vor.u32 $0x1, v1;
	v2 =	vld [tilespmem:s26+$0xFFFFFF90];
	_ =	sdelay $0x4  }
0x45: {  	[tilespmem:v3+s17+$0x0] =	vst.idx.msk $0xffff, v2  }
0x46: {  	v3 =	vor.u32 $0x2, v1;
	v2 =	vld [tilespmem:s26+$0x10];
	_ =	sdelay $0x4  }
0x47: {  	[tilespmem:v3+s17+$0x0] =	vst.idx.msk $0xffff, v2  }
0x48: {  	v1 =	vor.u32 $0x3, v1;
	v2 =	vld [tilespmem:s26+$0x90];
	_ =	sdelay $0x2  }
0x49: {  	s28 =	simm.s32 $0x20  }
0x4a: {  	v3 =	vmov s28  }
0x4b: {  	[tilespmem:v1+s17+$0x0] =	vst.idx.msk $0xffff, v2;
	v1 =	vshll.u32 v3, $0x3  }
0x4c: {  	v2 =	vld [tilespmem:s26+$0xFFFFFF20];
	v1 =	vor.u32 v0, v1;
	_ =	sdelay $0x4  }
0x4d: {  	[tilespmem:v1+s17+$0x0] =	vst.idx.msk $0xffff, v2  }
0x4e: {  	v3 =	vor.u32 $0x1, v1;
	v2 =	vld [tilespmem:s26+$0xFFFFFFA0];
	_ =	sdelay $0x4  }
0x4f: {  	[tilespmem:v3+s17+$0x0] =	vst.idx.msk $0xffff, v2  }
0x50: {  	v3 =	vor.u32 $0x2, v1;
	v2 =	vld [tilespmem:s26+$0x20];
	_ =	sdelay $0x4  }
0x51: {  	[tilespmem:v3+s17+$0x0] =	vst.idx.msk $0xffff, v2  }
0x52: {  	v1 =	vor.u32 $0x3, v1;
	v2 =	vld [tilespmem:s26+$0xA0];
	_ =	sdelay $0x2  }
0x53: {  	s28 =	simm.s32 $0x30  }
0x54: {  	v3 =	vmov s28  }
0x55: {  	[tilespmem:v1+s17+$0x0] =	vst.idx.msk $0xffff, v2;
	v1 =	vshll.u32 v3, $0x3  }
0x56: {  	v2 =	vld [tilespmem:s26+$0xFFFFFF30];
	v1 =	vor.u32 v0, v1;
	_ =	sdelay $0x4  }
0x57: {  	[tilespmem:v1+s17+$0x0] =	vst.idx.msk $0xffff, v2  }
0x58: {  	v3 =	vor.u32 $0x1, v1;
	v2 =	vld [tilespmem:s26+$0xFFFFFFB0];
	_ =	sdelay $0x4  }
0x59: {  	[tilespmem:v3+s17+$0x0] =	vst.idx.msk $0xffff, v2  }
0x5a: {  	v3 =	vor.u32 $0x2, v1;
	v2 =	vld [tilespmem:s26+$0x30];
	_ =	sdelay $0x4  }
0x5b: {  	[tilespmem:v3+s17+$0x0] =	vst.idx.msk $0xffff, v2  }
0x5c: {  	v1 =	vor.u32 $0x3, v1;
	v2 =	vld [tilespmem:s26+$0xB0];
	_ =	sdelay $0x2  }
0x5d: {  	s28 =	simm.s32 $0x40  }
0x5e: {  	v3 =	vmov s28  }
0x5f: {  	[tilespmem:v1+s17+$0x0] =	vst.idx.msk $0xffff, v2;
	v1 =	vshll.u32 v3, $0x3  }
0x60: {  	v2 =	vld [tilespmem:s26+$0xFFFFFF40];
	v1 =	vor.u32 v0, v1;
	_ =	sdelay $0x4  }
0x61: {  	[tilespmem:v1+s17+$0x0] =	vst.idx.msk $0xffff, v2  }
0x62: {  	v3 =	vor.u32 $0x1, v1;
	v2 =	vld [tilespmem:s26+$0xFFFFFFC0];
	_ =	sdelay $0x4  }
0x63: {  	[tilespmem:v3+s17+$0x0] =	vst.idx.msk $0xffff, v2  }
0x64: {  	v3 =	vor.u32 $0x2, v1;
	v2 =	vld [tilespmem:s26+$0x40];
	_ =	sdelay $0x4  }
0x65: {  	[tilespmem:v3+s17+$0x0] =	vst.idx.msk $0xffff, v2  }
0x66: {  	v1 =	vor.u32 $0x3, v1;
	v2 =	vld [tilespmem:s26+$0xC0];
	_ =	sdelay $0x2  }
0x67: {  	s28 =	simm.s32 $0x50  }
0x68: {  	v3 =	vmov s28  }
0x69: {  	[tilespmem:v1+s17+$0x0] =	vst.idx.msk $0xffff, v2;
	v1 =	vshll.u32 v3, $0x3  }
0x6a: {  	v2 =	vld [tilespmem:s26+$0xFFFFFF50];
	v1 =	vor.u32 v0, v1;
	_ =	sdelay $0x4  }
0x6b: {  	[tilespmem:v1+s17+$0x0] =	vst.idx.msk $0xffff, v2  }
0x6c: {  	v3 =	vor.u32 $0x1, v1;
	v2 =	vld [tilespmem:s26+$0xFFFFFFD0];
	_ =	sdelay $0x4  }
0x6d: {  	[tilespmem:v3+s17+$0x0] =	vst.idx.msk $0xffff, v2  }
0x6e: {  	v3 =	vor.u32 $0x2, v1;
	v2 =	vld [tilespmem:s26+$0x50];
	_ =	sdelay $0x4  }
0x6f: {  	[tilespmem:v3+s17+$0x0] =	vst.idx.msk $0xffff, v2  }
0x70: {  	v1 =	vor.u32 $0x3, v1;
	v2 =	vld [tilespmem:s26+$0xD0];
	_ =	sdelay $0x2  }
0x71: {  	s28 =	simm.s32 $0x60  }
0x72: {  	v3 =	vmov s28  }
0x73: {  	[tilespmem:v1+s17+$0x0] =	vst.idx.msk $0xffff, v2;
	v1 =	vshll.u32 v3, $0x3  }
0x74: {  	v2 =	vld [tilespmem:s26+$0xFFFFFF60];
	v1 =	vor.u32 v0, v1;
	_ =	sdelay $0x4  }
0x75: {  	[tilespmem:v1+s17+$0x0] =	vst.idx.msk $0xffff, v2  }
0x76: {  	v3 =	vor.u32 $0x1, v1;
	v2 =	vld [tilespmem:s26+$0xFFFFFFE0];
	_ =	sdelay $0x4  }
0x77: {  	[tilespmem:v3+s17+$0x0] =	vst.idx.msk $0xffff, v2  }
0x78: {  	v3 =	vor.u32 $0x2, v1;
	v2 =	vld [tilespmem:s26+$0x60];
	_ =	sdelay $0x4  }
0x79: {  	[tilespmem:v3+s17+$0x0] =	vst.idx.msk $0xffff, v2  }
0x7a: {  	v1 =	vor.u32 $0x3, v1;
	v2 =	vld [tilespmem:s26+$0xE0];
	_ =	sdelay $0x2  }
0x7b: {  	s28 =	simm.s32 $0x70  }
0x7c: {  	v3 =	vmov s28  }
0x7d: {  	[tilespmem:v1+s17+$0x0] =	vst.idx.msk $0xffff, v2;
	v1 =	vshll.u32 v3, $0x3  }
0x7e: {  	v2 =	vld [tilespmem:s26+$0xFFFFFF70];
	v3 =	vor.u32 v0, v1;
	_ =	sdelay $0x4  }
0x7f: {  	[tilespmem:v3+s17+$0x0] =	vst.idx.msk $0xffff, v2  }
0x80: {  	v2 =	vor.u32 $0x1, v3;
	v1 =	vld [tilespmem:s26+$0xFFFFFFF0];
	_ =	sdelay $0x4  }
0x81: {  	[tilespmem:v2+s17+$0x0] =	vst.idx.msk $0xffff, v1  }
0x82: {  	v2 =	vor.u32 $0x2, v3;
	v1 =	vld [tilespmem:s26+$0x70];
	_ =	sdelay $0x4  }
0x83: {  	[tilespmem:v2+s17+$0x0] =	vst.idx.msk $0xffff, v1  }
0x84: {  	v2 =	vor.u32 $0x3, v3;
	v1 =	vld [tilespmem:s26+$0xF0];
	_ =	sdelay $0x2  }
0x85: {  	s30 =	simm.s32 $0x80;
	s29 =	simm.s32 $0x170;
	s28 =	simm.s32 $0xF0  }
.LBB2_3:
0x86: {  	p1 =	sne.s32 s29, $0x7F0;
	v3 =	vmov s30  }
0x87: {  	s26 =	sadd.s32 $0x200, s26;
	v3 =	vshll.u32 v3, $0x3;
	[tilespmem:v2+s17+$0x0] =	vst.idx.msk $0xffff, v1  }
0x88: {  	v1 =	vld [tilespmem:s26+$0xFFFFFF00];
	v2 =	vor.u32 v0, v3;
	_ =	sdelay $0x4  }
0x89: {  	[tilespmem:v2+s17+$0x0] =	vst.idx.msk $0xffff, v1  }
0x8a: {  	v3 =	vor.u32 $0x1, v2;
	v1 =	vld [tilespmem:s26+$0xFFFFFF80];
	_ =	sdelay $0x4  }
0x8b: {  	[tilespmem:v3+s17+$0x0] =	vst.idx.msk $0xffff, v1  }
0x8c: {  	v3 =	vor.u32 $0x2, v2;
	v1 =	vld [tilespmem:s26+$0x0];
	_ =	sdelay $0x4  }
0x8d: {  	[tilespmem:v3+s17+$0x0] =	vst.idx.msk $0xffff, v1  }
0x8e: {  	v2 =	vor.u32 $0x3, v2;
	v1 =	vld [tilespmem:s26+$0x80];
	_ =	sdelay $0x2  }
0x8f: {  	s30 =	sadd.s32 $0xFFFFFFA0, s28  }
0x90: {  	v3 =	vmov s30  }
0x91: {  	[tilespmem:v2+s17+$0x0] =	vst.idx.msk $0xffff, v1;
	v1 =	vshll.u32 v3, $0x3  }
0x92: {  	v2 =	vld [tilespmem:s26+$0xFFFFFF10];
	v1 =	vor.u32 v0, v1;
	_ =	sdelay $0x4  }
0x93: {  	[tilespmem:v1+s17+$0x0] =	vst.idx.msk $0xffff, v2  }
0x94: {  	v3 =	vor.u32 $0x1, v1;
	v2 =	vld [tilespmem:s26+$0xFFFFFF90];
	_ =	sdelay $0x4  }
0x95: {  	[tilespmem:v3+s17+$0x0] =	vst.idx.msk $0xffff, v2  }
0x96: {  	v3 =	vor.u32 $0x2, v1;
	v2 =	vld [tilespmem:s26+$0x10];
	_ =	sdelay $0x4  }
0x97: {  	[tilespmem:v3+s17+$0x0] =	vst.idx.msk $0xffff, v2  }
0x98: {  	v1 =	vor.u32 $0x3, v1;
	v2 =	vld [tilespmem:s26+$0x90];
	_ =	sdelay $0x2  }
0x99: {  	s30 =	sadd.s32 $0xFFFFFFB0, s28  }
0x9a: {  	v3 =	vmov s30  }
0x9b: {  	[tilespmem:v1+s17+$0x0] =	vst.idx.msk $0xffff, v2;
	v1 =	vshll.u32 v3, $0x3  }
0x9c: {  	v2 =	vld [tilespmem:s26+$0xFFFFFF20];
	v1 =	vor.u32 v0, v1;
	_ =	sdelay $0x4  }
0x9d: {  	[tilespmem:v1+s17+$0x0] =	vst.idx.msk $0xffff, v2  }
0x9e: {  	v3 =	vor.u32 $0x1, v1;
	v2 =	vld [tilespmem:s26+$0xFFFFFFA0];
	_ =	sdelay $0x4  }
0x9f: {  	[tilespmem:v3+s17+$0x0] =	vst.idx.msk $0xffff, v2  }
0xa0: {  	v3 =	vor.u32 $0x2, v1;
	v2 =	vld [tilespmem:s26+$0x20];
	_ =	sdelay $0x4  }
0xa1: {  	[tilespmem:v3+s17+$0x0] =	vst.idx.msk $0xffff, v2  }
0xa2: {  	v1 =	vor.u32 $0x3, v1;
	v2 =	vld [tilespmem:s26+$0xA0];
	_ =	sdelay $0x2  }
0xa3: {  	s30 =	sadd.s32 $0xFFFFFFC0, s28  }
0xa4: {  	v3 =	vmov s30  }
0xa5: {  	[tilespmem:v1+s17+$0x0] =	vst.idx.msk $0xffff, v2;
	v1 =	vshll.u32 v3, $0x3  }
0xa6: {  	v2 =	vld [tilespmem:s26+$0xFFFFFF30];
	v1 =	vor.u32 v0, v1;
	_ =	sdelay $0x4  }
0xa7: {  	[tilespmem:v1+s17+$0x0] =	vst.idx.msk $0xffff, v2  }
0xa8: {  	v3 =	vor.u32 $0x1, v1;
	v2 =	vld [tilespmem:s26+$0xFFFFFFB0];
	_ =	sdelay $0x4  }
0xa9: {  	[tilespmem:v3+s17+$0x0] =	vst.idx.msk $0xffff, v2  }
0xaa: {  	v3 =	vor.u32 $0x2, v1;
	v2 =	vld [tilespmem:s26+$0x30];
	_ =	sdelay $0x4  }
0xab: {  	[tilespmem:v3+s17+$0x0] =	vst.idx.msk $0xffff, v2  }
0xac: {  	v1 =	vor.u32 $0x3, v1;
	v2 =	vld [tilespmem:s26+$0xB0];
	_ =	sdelay $0x2  }
0xad: {  	s30 =	sadd.s32 $0xFFFFFFD0, s28  }
0xae: {  	v3 =	vmov s30  }
0xaf: {  	[tilespmem:v1+s17+$0x0] =	vst.idx.msk $0xffff, v2;
	v1 =	vshll.u32 v3, $0x3  }
0xb0: {  	v2 =	vld [tilespmem:s26+$0xFFFFFF40];
	v1 =	vor.u32 v0, v1;
	_ =	sdelay $0x4  }
0xb1: {  	[tilespmem:v1+s17+$0x0] =	vst.idx.msk $0xffff, v2  }
0xb2: {  	v3 =	vor.u32 $0x1, v1;
	v2 =	vld [tilespmem:s26+$0xFFFFFFC0];
	_ =	sdelay $0x4  }
0xb3: {  	[tilespmem:v3+s17+$0x0] =	vst.idx.msk $0xffff, v2  }
0xb4: {  	v3 =	vor.u32 $0x2, v1;
	v2 =	vld [tilespmem:s26+$0x40];
	_ =	sdelay $0x4  }
0xb5: {  	[tilespmem:v3+s17+$0x0] =	vst.idx.msk $0xffff, v2  }
0xb6: {  	v1 =	vor.u32 $0x3, v1;
	v2 =	vld [tilespmem:s26+$0xC0];
	_ =	sdelay $0x2  }
0xb7: {  	s30 =	sadd.s32 $0xFFFFFFE0, s28  }
0xb8: {  	v3 =	vmov s30  }
0xb9: {  	[tilespmem:v1+s17+$0x0] =	vst.idx.msk $0xffff, v2;
	v1 =	vshll.u32 v3, $0x3  }
0xba: {  	v2 =	vld [tilespmem:s26+$0xFFFFFF50];
	v1 =	vor.u32 v0, v1;
	_ =	sdelay $0x4  }
0xbb: {  	[tilespmem:v1+s17+$0x0] =	vst.idx.msk $0xffff, v2  }
0xbc: {  	v3 =	vor.u32 $0x1, v1;
	v2 =	vld [tilespmem:s26+$0xFFFFFFD0];
	_ =	sdelay $0x4  }
0xbd: {  	[tilespmem:v3+s17+$0x0] =	vst.idx.msk $0xffff, v2  }
0xbe: {  	v3 =	vor.u32 $0x2, v1;
	v2 =	vld [tilespmem:s26+$0x50];
	_ =	sdelay $0x4  }
0xbf: {  	[tilespmem:v3+s17+$0x0] =	vst.idx.msk $0xffff, v2  }
0xc0: {  	v1 =	vor.u32 $0x3, v1;
	v2 =	vld [tilespmem:s26+$0xD0];
	_ =	sdelay $0x2  }
0xc1: {  	s30 =	sadd.s32 $0xFFFFFFF0, s28  }
0xc2: {  	v3 =	vmov s30  }
0xc3: {  	[tilespmem:v1+s17+$0x0] =	vst.idx.msk $0xffff, v2;
	v1 =	vshll.u32 v3, $0x3  }
0xc4: {  	v2 =	vld [tilespmem:s26+$0xFFFFFF60];
	v1 =	vor.u32 v0, v1;
	_ =	sdelay $0x4  }
0xc5: {  	[tilespmem:v1+s17+$0x0] =	vst.idx.msk $0xffff, v2  }
0xc6: {  	v3 =	vor.u32 $0x1, v1;
	v2 =	vld [tilespmem:s26+$0xFFFFFFE0];
	_ =	sdelay $0x4  }
0xc7: {  	[tilespmem:v3+s17+$0x0] =	vst.idx.msk $0xffff, v2  }
0xc8: {  	v3 =	vor.u32 $0x2, v1;
	v2 =	vld [tilespmem:s26+$0x60];
	_ =	sdelay $0x4  }
0xc9: {  	[tilespmem:v3+s17+$0x0] =	vst.idx.msk $0xffff, v2  }
0xca: {  	v1 =	vor.u32 $0x3, v1;
	v2 =	vld [tilespmem:s26+$0xE0];
	_ =	sdelay $0x3  }
0xcb: {  	v3 =	vmov s28;
	s28 =	smov.u32 s29  }
0xcc: {  	[tilespmem:v1+s17+$0x0] =	vst.idx.msk $0xffff, v2;
	v1 =	vshll.u32 v3, $0x3  }
0xcd: {  	v2 =	vld [tilespmem:s26+$0xFFFFFF70];
	v3 =	vor.u32 v0, v1;
	_ =	sdelay $0x4  }
0xce: {  	[tilespmem:v3+s17+$0x0] =	vst.idx.msk $0xffff, v2  }
0xcf: {  	v2 =	vor.u32 $0x1, v3;
	v1 =	vld [tilespmem:s26+$0xFFFFFFF0];
	_ =	sdelay $0x4  }
0xd0: {  	[tilespmem:v2+s17+$0x0] =	vst.idx.msk $0xffff, v1  }
0xd1: {  	v2 =	vor.u32 $0x2, v3;
	v1 =	vld [tilespmem:s26+$0x70];
	_ =	sdelay $0x4  }
.Ltmp4:
0xd2: {  	[tilespmem:v2+s17+$0x0] =	vst.idx.msk $0xffff, v1;
	(pc) =	sbr.rel @p1 .LBB2_3-.Ltmp4, $2  }
0xd3: {  	v2 =	vor.u32 $0x3, v3;
	v1 =	vld [tilespmem:s26+$0xF0];
	_ =	sdelay $0x2  }
0xd4: {  	s29 =	sadd.s32 $0x80, s29;
	s30 =	sadd.s32 $0xFFFFFF90, s28  }
0xd5: {  	_ =	sdelay $0x2  }
0xd6: {  	v3 =	vmov s30  }
0xd7: {  	s26 =	sadd.s32 $0x200, s26;
	v3 =	vshll.u32 v3, $0x3;
	[tilespmem:v2+s17+$0x0] =	vst.idx.msk $0xffff, v1  }
0xd8: {  	v1 =	vld [tilespmem:s26+$0xFFFFFF00];
	v2 =	vor.u32 v0, v3;
	_ =	sdelay $0x4  }
0xd9: {  	[tilespmem:v2+s17+$0x0] =	vst.idx.msk $0xffff, v1  }
0xda: {  	v3 =	vor.u32 $0x1, v2;
	v1 =	vld [tilespmem:s26+$0xFFFFFF80];
	_ =	sdelay $0x4  }
0xdb: {  	[tilespmem:v3+s17+$0x0] =	vst.idx.msk $0xffff, v1  }
0xdc: {  	v3 =	vor.u32 $0x2, v2;
	v1 =	vld [tilespmem:s26+$0x0];
	_ =	sdelay $0x4  }
0xdd: {  	[tilespmem:v3+s17+$0x0] =	vst.idx.msk $0xffff, v1  }
0xde: {  	v2 =	vor.u32 $0x3, v2;
	v1 =	vld [tilespmem:s26+$0x80];
	_ =	sdelay $0x2  }
0xdf: {  	s29 =	sadd.s32 $0xFFFFFFA0, s28  }
0xe0: {  	v3 =	vmov s29  }
0xe1: {  	[tilespmem:v2+s17+$0x0] =	vst.idx.msk $0xffff, v1;
	v1 =	vshll.u32 v3, $0x3  }
0xe2: {  	v2 =	vld [tilespmem:s26+$0xFFFFFF10];
	v1 =	vor.u32 v0, v1;
	_ =	sdelay $0x4  }
0xe3: {  	[tilespmem:v1+s17+$0x0] =	vst.idx.msk $0xffff, v2  }
0xe4: {  	v3 =	vor.u32 $0x1, v1;
	v2 =	vld [tilespmem:s26+$0xFFFFFF90];
	_ =	sdelay $0x4  }
0xe5: {  	[tilespmem:v3+s17+$0x0] =	vst.idx.msk $0xffff, v2  }
0xe6: {  	v3 =	vor.u32 $0x2, v1;
	v2 =	vld [tilespmem:s26+$0x10];
	_ =	sdelay $0x4  }
0xe7: {  	[tilespmem:v3+s17+$0x0] =	vst.idx.msk $0xffff, v2  }
0xe8: {  	v1 =	vor.u32 $0x3, v1;
	v2 =	vld [tilespmem:s26+$0x90];
	_ =	sdelay $0x2  }
0xe9: {  	s31 =	sadd.s32 $0xFFFFFFB0, s28  }
0xea: {  	v3 =	vmov s31  }
0xeb: {  	[tilespmem:v1+s17+$0x0] =	vst.idx.msk $0xffff, v2;
	v1 =	vshll.u32 v3, $0x3  }
0xec: {  	v2 =	vld [tilespmem:s26+$0xFFFFFF20];
	v1 =	vor.u32 v0, v1;
	_ =	sdelay $0x4  }
0xed: {  	[tilespmem:v1+s17+$0x0] =	vst.idx.msk $0xffff, v2  }
0xee: {  	v3 =	vor.u32 $0x1, v1;
	v2 =	vld [tilespmem:s26+$0xFFFFFFA0];
	_ =	sdelay $0x4  }
0xef: {  	[tilespmem:v3+s17+$0x0] =	vst.idx.msk $0xffff, v2  }
0xf0: {  	v3 =	vor.u32 $0x2, v1;
	v2 =	vld [tilespmem:s26+$0x20];
	_ =	sdelay $0x4  }
0xf1: {  	[tilespmem:v3+s17+$0x0] =	vst.idx.msk $0xffff, v2  }
0xf2: {  	v1 =	vor.u32 $0x3, v1;
	v2 =	vld [tilespmem:s26+$0xA0];
	_ =	sdelay $0x2  }
0xf3: {  	s30 =	sadd.s32 $0xFFFFFFC0, s28  }
0xf4: {  	v3 =	vmov s30  }
0xf5: {  	[tilespmem:v1+s17+$0x0] =	vst.idx.msk $0xffff, v2;
	v1 =	vshll.u32 v3, $0x3  }
0xf6: {  	v2 =	vld [tilespmem:s26+$0xFFFFFF30];
	v1 =	vor.u32 v0, v1;
	_ =	sdelay $0x4  }
0xf7: {  	[tilespmem:v1+s17+$0x0] =	vst.idx.msk $0xffff, v2  }
0xf8: {  	v3 =	vor.u32 $0x1, v1;
	v2 =	vld [tilespmem:s26+$0xFFFFFFB0];
	_ =	sdelay $0x4  }
0xf9: {  	[tilespmem:v3+s17+$0x0] =	vst.idx.msk $0xffff, v2  }
0xfa: {  	v3 =	vor.u32 $0x2, v1;
	v2 =	vld [tilespmem:s26+$0x30];
	_ =	sdelay $0x4  }
0xfb: {  	[tilespmem:v3+s17+$0x0] =	vst.idx.msk $0xffff, v2  }
0xfc: {  	v1 =	vor.u32 $0x3, v1;
	v2 =	vld [tilespmem:s26+$0xB0];
	_ =	sdelay $0x2  }
0xfd: {  	s31 =	sadd.s32 $0xFFFFFFD0, s28  }
0xfe: {  	v3 =	vmov s31  }
0xff: {  	[tilespmem:v1+s17+$0x0] =	vst.idx.msk $0xffff, v2;
	v1 =	vshll.u32 v3, $0x3  }
0x100: {  	v2 =	vld [tilespmem:s26+$0xFFFFFF40];
	v1 =	vor.u32 v0, v1;
	_ =	sdelay $0x4  }
0x101: {  	[tilespmem:v1+s17+$0x0] =	vst.idx.msk $0xffff, v2  }
0x102: {  	v3 =	vor.u32 $0x1, v1;
	v2 =	vld [tilespmem:s26+$0xFFFFFFC0];
	_ =	sdelay $0x4  }
0x103: {  	[tilespmem:v3+s17+$0x0] =	vst.idx.msk $0xffff, v2  }
0x104: {  	v3 =	vor.u32 $0x2, v1;
	v2 =	vld [tilespmem:s26+$0x40];
	_ =	sdelay $0x4  }
0x105: {  	[tilespmem:v3+s17+$0x0] =	vst.idx.msk $0xffff, v2  }
0x106: {  	v1 =	vor.u32 $0x3, v1;
	v2 =	vld [tilespmem:s26+$0xC0];
	_ =	sdelay $0x2  }
0x107: {  	s30 =	sadd.s32 $0xFFFFFFE0, s28  }
0x108: {  	v3 =	vmov s30  }
0x109: {  	[tilespmem:v1+s17+$0x0] =	vst.idx.msk $0xffff, v2;
	v1 =	vshll.u32 v3, $0x3  }
0x10a: {  	v2 =	vld [tilespmem:s26+$0xFFFFFF50];
	v1 =	vor.u32 v0, v1;
	_ =	sdelay $0x4  }
0x10b: {  	[tilespmem:v1+s17+$0x0] =	vst.idx.msk $0xffff, v2  }
0x10c: {  	v3 =	vor.u32 $0x1, v1;
	v2 =	vld [tilespmem:s26+$0xFFFFFFD0];
	_ =	sdelay $0x4  }
0x10d: {  	[tilespmem:v3+s17+$0x0] =	vst.idx.msk $0xffff, v2  }
0x10e: {  	v3 =	vor.u32 $0x2, v1;
	v2 =	vld [tilespmem:s26+$0x50];
	_ =	sdelay $0x4  }
0x10f: {  	[tilespmem:v3+s17+$0x0] =	vst.idx.msk $0xffff, v2  }
0x110: {  	v1 =	vor.u32 $0x3, v1;
	v2 =	vld [tilespmem:s26+$0xD0];
	_ =	sdelay $0x2  }
0x111: {  	s31 =	sadd.s32 $0xFFFFFFF0, s28  }
0x112: {  	v3 =	vmov s31  }
0x113: {  	[tilespmem:v1+s17+$0x0] =	vst.idx.msk $0xffff, v2;
	v1 =	vshll.u32 v3, $0x3  }
0x114: {  	v2 =	vld [tilespmem:s26+$0xFFFFFF60];
	v1 =	vor.u32 v0, v1;
	_ =	sdelay $0x4  }
0x115: {  	[tilespmem:v1+s17+$0x0] =	vst.idx.msk $0xffff, v2  }
0x116: {  	v3 =	vor.u32 $0x1, v1;
	v2 =	vld [tilespmem:s26+$0xFFFFFFE0];
	_ =	sdelay $0x4  }
0x117: {  	[tilespmem:v3+s17+$0x0] =	vst.idx.msk $0xffff, v2  }
0x118: {  	v3 =	vor.u32 $0x2, v1;
	v2 =	vld [tilespmem:s26+$0x60];
	_ =	sdelay $0x4  }
0x119: {  	[tilespmem:v3+s17+$0x0] =	vst.idx.msk $0xffff, v2  }
0x11a: {  	v1 =	vor.u32 $0x3, v1;
	v2 =	vld [tilespmem:s26+$0xE0];
	_ =	sdelay $0x3  }
0x11b: {  	v3 =	vmov s28  }
0x11c: {  	[tilespmem:v1+s17+$0x0] =	vst.idx.msk $0xffff, v2;
	v1 =	vshll.u32 v3, $0x3  }
0x11d: {  	v2 =	vld [tilespmem:s26+$0xFFFFFF70];
	v1 =	vor.u32 v0, v1;
	_ =	sdelay $0x4  }
0x11e: {  	[tilespmem:v1+s17+$0x0] =	vst.idx.msk $0xffff, v2  }
0x11f: {  	v3 =	vor.u32 $0x1, v1;
	v2 =	vld [tilespmem:s26+$0xFFFFFFF0];
	_ =	sdelay $0x4  }
0x120: {  	[tilespmem:v3+s17+$0x0] =	vst.idx.msk $0xffff, v2  }
0x121: {  	v3 =	vor.u32 $0x2, v1;
	v2 =	vld [tilespmem:s26+$0x70];
	_ =	sdelay $0x4  }
0x122: {  	[tilespmem:v3+s17+$0x0] =	vst.idx.msk $0xffff, v2  }
0x123: {  	v1 =	vor.u32 $0x3, v1;
	v2 =	vld [tilespmem:s26+$0xF0];
	_ =	sdelay $0x3  }
0x124: {  	s25 =	sadd.s32 s11, s25  }
0x125: {  	p1 =	sgt.u32 s25, $0xC34;
	[tilespmem:v1+s17+$0x0] =	vst.idx.msk $0xffff, v2  }
0x126: {  	[spmem:s4] =	stream.indirect.scatter.add.f32 [tilespmem:s17], [sflag:$0x4], $0x8, s5, s18, $0xb8;
	[tilespmem:$0x15380] =	vst v63  }
0x127: {  	s28 =	simm.s32 @!p1 $0x0;
	_ =	swait.ge [sflag:s20], $0x4000  }
.Ltmp5:
0x128: {  	s26 =	sshll.u32 @!p1 s25, $0x8;
	[sflag:s20] =	ssyncset.done $0x0;
	(pc) =	sbr.rel @p0 .LBB2_8-.Ltmp5, $4  }
0x129: {  	s25 =	sshll.u32 @!p1 s25, $0xA;
	s26 =	sadd.s32 @!p1 s1, s26;
	[sflag:s20] =	ssyncadd.s32 $0xFFFFC000  }
0x12a: {  	[tilespmem:s28], [sflag:$0x1] =	stream.linear.gather @!p1 [hbm4b:s26+s28], $0x800, $0x38;
	[tilespmem:$0x15380] =	vst v63  }
0x12b: {  	s25 =	sadd.s32 @!p1 s2, s25;
	s26 =	simm.s32 @!p1 $0x800  }
0x12c: {  	[tilespmem:s26], [sflag:$0x1] =	stream.linear.gather @!p1 [hbm4b:s25+s28], $0x2000, $0x38;
	[tilespmem:$0x15380] =	vst v63  }
0x12d: {  	_ =	swait.ge [sflag:s21], $0x800  }
0x12e: {  	[sflag:s21] =	ssyncset.done $0x0  }
0x12f: {  	[sflag:s21] =	ssyncadd.s32 $0xFFFFF800  }
0x130: {  	s25 =	simm.s32 $0x0;
	_ =	swait.ge [sflag:s21], $0x2000  }
0x131: {  	v1 =	vmov s25;
	[sflag:s21] =	ssyncset.done $0x0  }
0x132: {  	s25 =	simm.s32 $0x3100;
	v1 =	vshll.u32 v1, $0x3;
	[sflag:s21] =	ssyncadd.s32 $0xFFFFE000  }
0x133: {  	v1 =	vor.u32 v0, v1;
	v2 =	vld [tilespmem:s25+$0xFFFFFF00];
	_ =	sdelay $0x4  }
0x134: {  	[tilespmem:v1+s17+$0x0] =	vst.idx.msk $0xffff, v2  }
0x135: {  	v3 =	vor.u32 $0x1, v1;
	v2 =	vld [tilespmem:s25+$0xFFFFFF80];
	_ =	sdelay $0x4  }
0x136: {  	[tilespmem:v3+s17+$0x0] =	vst.idx.msk $0xffff, v2  }
0x137: {  	v3 =	vor.u32 $0x2, v1;
	v2 =	vld [tilespmem:s25+$0x0];
	_ =	sdelay $0x4  }
0x138: {  	[tilespmem:v3+s17+$0x0] =	vst.idx.msk $0xffff, v2  }
0x139: {  	v1 =	vor.u32 $0x3, v1;
	v2 =	vld [tilespmem:s25+$0x80];
	_ =	sdelay $0x2  }
0x13a: {  	s26 =	simm.s32 $0x10  }
0x13b: {  	v3 =	vmov s26  }
0x13c: {  	[tilespmem:v1+s17+$0x0] =	vst.idx.msk $0xffff, v2;
	v1 =	vshll.u32 v3, $0x3  }
0x13d: {  	v2 =	vld [tilespmem:s25+$0xFFFFFF10];
	v1 =	vor.u32 v0, v1;
	_ =	sdelay $0x4  }
0x13e: {  	[tilespmem:v1+s17+$0x0] =	vst.idx.msk $0xffff, v2  }
0x13f: {  	v3 =	vor.u32 $0x1, v1;
	v2 =	vld [tilespmem:s25+$0xFFFFFF90];
	_ =	sdelay $0x4  }
0x140: {  	[tilespmem:v3+s17+$0x0] =	vst.idx.msk $0xffff, v2  }
0x141: {  	v3 =	vor.u32 $0x2, v1;
	v2 =	vld [tilespmem:s25+$0x10];
	_ =	sdelay $0x4  }
0x142: {  	[tilespmem:v3+s17+$0x0] =	vst.idx.msk $0xffff, v2  }
0x143: {  	v1 =	vor.u32 $0x3, v1;
	v2 =	vld [tilespmem:s25+$0x90];
	_ =	sdelay $0x2  }
0x144: {  	s30 =	simm.s32 $0x20  }
0x145: {  	v3 =	vmov s30  }
0x146: {  	[tilespmem:v1+s17+$0x0] =	vst.idx.msk $0xffff, v2;
	v1 =	vshll.u32 v3, $0x3  }
0x147: {  	v2 =	vld [tilespmem:s25+$0xFFFFFF20];
	v1 =	vor.u32 v0, v1;
	_ =	sdelay $0x4  }
0x148: {  	[tilespmem:v1+s17+$0x0] =	vst.idx.msk $0xffff, v2  }
0x149: {  	v3 =	vor.u32 $0x1, v1;
	v2 =	vld [tilespmem:s25+$0xFFFFFFA0];
	_ =	sdelay $0x4  }
0x14a: {  	[tilespmem:v3+s17+$0x0] =	vst.idx.msk $0xffff, v2  }
0x14b: {  	v3 =	vor.u32 $0x2, v1;
	v2 =	vld [tilespmem:s25+$0x20];
	_ =	sdelay $0x4  }
0x14c: {  	[tilespmem:v3+s17+$0x0] =	vst.idx.msk $0xffff, v2  }
0x14d: {  	v1 =	vor.u32 $0x3, v1;
	v2 =	vld [tilespmem:s25+$0xA0];
	_ =	sdelay $0x2  }
0x14e: {  	s31 =	simm.s32 $0x30  }
0x14f: {  	v3 =	vmov s31  }
0x150: {  	[tilespmem:v1+s17+$0x0] =	vst.idx.msk $0xffff, v2;
	v1 =	vshll.u32 v3, $0x3  }
0x151: {  	v2 =	vld [tilespmem:s25+$0xFFFFFF30];
	v1 =	vor.u32 v0, v1;
	_ =	sdelay $0x4  }
0x152: {  	[tilespmem:v1+s17+$0x0] =	vst.idx.msk $0xffff, v2  }
0x153: {  	v3 =	vor.u32 $0x1, v1;
	v2 =	vld [tilespmem:s25+$0xFFFFFFB0];
	_ =	sdelay $0x4  }
0x154: {  	[tilespmem:v3+s17+$0x0] =	vst.idx.msk $0xffff, v2  }
0x155: {  	v3 =	vor.u32 $0x2, v1;
	v2 =	vld [tilespmem:s25+$0x30];
	_ =	sdelay $0x4  }
0x156: {  	[tilespmem:v3+s17+$0x0] =	vst.idx.msk $0xffff, v2  }
0x157: {  	v1 =	vor.u32 $0x3, v1;
	v2 =	vld [tilespmem:s25+$0xB0];
	_ =	sdelay $0x2  }
0x158: {  	s30 =	simm.s32 $0x40  }
0x159: {  	v3 =	vmov s30  }
0x15a: {  	[tilespmem:v1+s17+$0x0] =	vst.idx.msk $0xffff, v2;
	v1 =	vshll.u32 v3, $0x3  }
0x15b: {  	v2 =	vld [tilespmem:s25+$0xFFFFFF40];
	v1 =	vor.u32 v0, v1;
	_ =	sdelay $0x4  }
0x15c: {  	[tilespmem:v1+s17+$0x0] =	vst.idx.msk $0xffff, v2  }
0x15d: {  	v3 =	vor.u32 $0x1, v1;
	v2 =	vld [tilespmem:s25+$0xFFFFFFC0];
	_ =	sdelay $0x4  }
0x15e: {  	[tilespmem:v3+s17+$0x0] =	vst.idx.msk $0xffff, v2  }
0x15f: {  	v3 =	vor.u32 $0x2, v1;
	v2 =	vld [tilespmem:s25+$0x40];
	_ =	sdelay $0x4  }
0x160: {  	[tilespmem:v3+s17+$0x0] =	vst.idx.msk $0xffff, v2  }
0x161: {  	v1 =	vor.u32 $0x3, v1;
	v2 =	vld [tilespmem:s25+$0xC0];
	_ =	sdelay $0x2  }
0x162: {  	s31 =	simm.s32 $0x50  }
0x163: {  	v3 =	vmov s31  }
0x164: {  	[tilespmem:v1+s17+$0x0] =	vst.idx.msk $0xffff, v2;
	v1 =	vshll.u32 v3, $0x3  }
0x165: {  	v2 =	vld [tilespmem:s25+$0xFFFFFF50];
	v1 =	vor.u32 v0, v1;
	_ =	sdelay $0x4  }
0x166: {  	[tilespmem:v1+s17+$0x0] =	vst.idx.msk $0xffff, v2  }
0x167: {  	v3 =	vor.u32 $0x1, v1;
	v2 =	vld [tilespmem:s25+$0xFFFFFFD0];
	_ =	sdelay $0x4  }
0x168: {  	[tilespmem:v3+s17+$0x0] =	vst.idx.msk $0xffff, v2  }
0x169: {  	v3 =	vor.u32 $0x2, v1;
	v2 =	vld [tilespmem:s25+$0x50];
	_ =	sdelay $0x4  }
0x16a: {  	[tilespmem:v3+s17+$0x0] =	vst.idx.msk $0xffff, v2  }
0x16b: {  	v1 =	vor.u32 $0x3, v1;
	v2 =	vld [tilespmem:s25+$0xD0];
	_ =	sdelay $0x2  }
0x16c: {  	s30 =	simm.s32 $0x60  }
0x16d: {  	v3 =	vmov s30  }
0x16e: {  	[tilespmem:v1+s17+$0x0] =	vst.idx.msk $0xffff, v2;
	v1 =	vshll.u32 v3, $0x3  }
0x16f: {  	v2 =	vld [tilespmem:s25+$0xFFFFFF60];
	v1 =	vor.u32 v0, v1;
	_ =	sdelay $0x4  }
0x170: {  	[tilespmem:v1+s17+$0x0] =	vst.idx.msk $0xffff, v2  }
0x171: {  	v3 =	vor.u32 $0x1, v1;
	v2 =	vld [tilespmem:s25+$0xFFFFFFE0];
	_ =	sdelay $0x4  }
0x172: {  	[tilespmem:v3+s17+$0x0] =	vst.idx.msk $0xffff, v2  }
0x173: {  	v3 =	vor.u32 $0x2, v1;
	v2 =	vld [tilespmem:s25+$0x60];
	_ =	sdelay $0x4  }
0x174: {  	[tilespmem:v3+s17+$0x0] =	vst.idx.msk $0xffff, v2  }
0x175: {  	v1 =	vor.u32 $0x3, v1;
	v2 =	vld [tilespmem:s25+$0xE0];
	_ =	sdelay $0x2  }
0x176: {  	s31 =	simm.s32 $0x70  }
0x177: {  	v3 =	vmov s31  }
0x178: {  	[tilespmem:v1+s17+$0x0] =	vst.idx.msk $0xffff, v2;
	v1 =	vshll.u32 v3, $0x3  }
0x179: {  	v2 =	vld [tilespmem:s25+$0xFFFFFF70];
	v3 =	vor.u32 v0, v1;
	_ =	sdelay $0x4  }
0x17a: {  	[tilespmem:v3+s17+$0x0] =	vst.idx.msk $0xffff, v2  }
0x17b: {  	v2 =	vor.u32 $0x1, v3;
	v1 =	vld [tilespmem:s25+$0xFFFFFFF0];
	_ =	sdelay $0x4  }
0x17c: {  	[tilespmem:v2+s17+$0x0] =	vst.idx.msk $0xffff, v1  }
0x17d: {  	v2 =	vor.u32 $0x2, v3;
	v1 =	vld [tilespmem:s25+$0x70];
	_ =	sdelay $0x4  }
0x17e: {  	[tilespmem:v2+s17+$0x0] =	vst.idx.msk $0xffff, v1  }
0x17f: {  	v2 =	vor.u32 $0x3, v3;
	v1 =	vld [tilespmem:s25+$0xF0];
	_ =	sdelay $0x2  }
0x180: {  	s29 =	simm.s32 $0x80;
	s28 =	simm.s32 $0x170;
	s26 =	simm.s32 $0xF0  }
.LBB2_6:
0x181: {  	p0 =	sne.s32 s28, $0x7F0;
	v3 =	vmov s29  }
0x182: {  	s25 =	sadd.s32 $0x200, s25;
	v3 =	vshll.u32 v3, $0x3;
	[tilespmem:v2+s17+$0x0] =	vst.idx.msk $0xffff, v1  }
0x183: {  	v1 =	vld [tilespmem:s25+$0xFFFFFF00];
	v2 =	vor.u32 v0, v3;
	_ =	sdelay $0x4  }
0x184: {  	[tilespmem:v2+s17+$0x0] =	vst.idx.msk $0xffff, v1  }
0x185: {  	v3 =	vor.u32 $0x1, v2;
	v1 =	vld [tilespmem:s25+$0xFFFFFF80];
	_ =	sdelay $0x4  }
0x186: {  	[tilespmem:v3+s17+$0x0] =	vst.idx.msk $0xffff, v1  }
0x187: {  	v3 =	vor.u32 $0x2, v2;
	v1 =	vld [tilespmem:s25+$0x0];
	_ =	sdelay $0x4  }
0x188: {  	[tilespmem:v3+s17+$0x0] =	vst.idx.msk $0xffff, v1  }
0x189: {  	v2 =	vor.u32 $0x3, v2;
	v1 =	vld [tilespmem:s25+$0x80];
	_ =	sdelay $0x2  }
0x18a: {  	s29 =	sadd.s32 $0xFFFFFFA0, s26  }
0x18b: {  	v3 =	vmov s29  }
0x18c: {  	[tilespmem:v2+s17+$0x0] =	vst.idx.msk $0xffff, v1;
	v1 =	vshll.u32 v3, $0x3  }
0x18d: {  	v2 =	vld [tilespmem:s25+$0xFFFFFF10];
	v1 =	vor.u32 v0, v1;
	_ =	sdelay $0x4  }
0x18e: {  	[tilespmem:v1+s17+$0x0] =	vst.idx.msk $0xffff, v2  }
0x18f: {  	v3 =	vor.u32 $0x1, v1;
	v2 =	vld [tilespmem:s25+$0xFFFFFF90];
	_ =	sdelay $0x4  }
0x190: {  	[tilespmem:v3+s17+$0x0] =	vst.idx.msk $0xffff, v2  }
0x191: {  	v3 =	vor.u32 $0x2, v1;
	v2 =	vld [tilespmem:s25+$0x10];
	_ =	sdelay $0x4  }
0x192: {  	[tilespmem:v3+s17+$0x0] =	vst.idx.msk $0xffff, v2  }
0x193: {  	v1 =	vor.u32 $0x3, v1;
	v2 =	vld [tilespmem:s25+$0x90];
	_ =	sdelay $0x2  }
0x194: {  	s29 =	sadd.s32 $0xFFFFFFB0, s26  }
0x195: {  	v3 =	vmov s29  }
0x196: {  	[tilespmem:v1+s17+$0x0] =	vst.idx.msk $0xffff, v2;
	v1 =	vshll.u32 v3, $0x3  }
0x197: {  	v2 =	vld [tilespmem:s25+$0xFFFFFF20];
	v1 =	vor.u32 v0, v1;
	_ =	sdelay $0x4  }
0x198: {  	[tilespmem:v1+s17+$0x0] =	vst.idx.msk $0xffff, v2  }
0x199: {  	v3 =	vor.u32 $0x1, v1;
	v2 =	vld [tilespmem:s25+$0xFFFFFFA0];
	_ =	sdelay $0x4  }
0x19a: {  	[tilespmem:v3+s17+$0x0] =	vst.idx.msk $0xffff, v2  }
0x19b: {  	v3 =	vor.u32 $0x2, v1;
	v2 =	vld [tilespmem:s25+$0x20];
	_ =	sdelay $0x4  }
0x19c: {  	[tilespmem:v3+s17+$0x0] =	vst.idx.msk $0xffff, v2  }
0x19d: {  	v1 =	vor.u32 $0x3, v1;
	v2 =	vld [tilespmem:s25+$0xA0];
	_ =	sdelay $0x2  }
0x19e: {  	s29 =	sadd.s32 $0xFFFFFFC0, s26  }
0x19f: {  	v3 =	vmov s29  }
0x1a0: {  	[tilespmem:v1+s17+$0x0] =	vst.idx.msk $0xffff, v2;
	v1 =	vshll.u32 v3, $0x3  }
0x1a1: {  	v2 =	vld [tilespmem:s25+$0xFFFFFF30];
	v1 =	vor.u32 v0, v1;
	_ =	sdelay $0x4  }
0x1a2: {  	[tilespmem:v1+s17+$0x0] =	vst.idx.msk $0xffff, v2  }
0x1a3: {  	v3 =	vor.u32 $0x1, v1;
	v2 =	vld [tilespmem:s25+$0xFFFFFFB0];
	_ =	sdelay $0x4  }
0x1a4: {  	[tilespmem:v3+s17+$0x0] =	vst.idx.msk $0xffff, v2  }
0x1a5: {  	v3 =	vor.u32 $0x2, v1;
	v2 =	vld [tilespmem:s25+$0x30];
	_ =	sdelay $0x4  }
0x1a6: {  	[tilespmem:v3+s17+$0x0] =	vst.idx.msk $0xffff, v2  }
0x1a7: {  	v1 =	vor.u32 $0x3, v1;
	v2 =	vld [tilespmem:s25+$0xB0];
	_ =	sdelay $0x2  }
0x1a8: {  	s29 =	sadd.s32 $0xFFFFFFD0, s26  }
0x1a9: {  	v3 =	vmov s29  }
0x1aa: {  	[tilespmem:v1+s17+$0x0] =	vst.idx.msk $0xffff, v2;
	v1 =	vshll.u32 v3, $0x3  }
0x1ab: {  	v2 =	vld [tilespmem:s25+$0xFFFFFF40];
	v1 =	vor.u32 v0, v1;
	_ =	sdelay $0x4  }
0x1ac: {  	[tilespmem:v1+s17+$0x0] =	vst.idx.msk $0xffff, v2  }
0x1ad: {  	v3 =	vor.u32 $0x1, v1;
	v2 =	vld [tilespmem:s25+$0xFFFFFFC0];
	_ =	sdelay $0x4  }
0x1ae: {  	[tilespmem:v3+s17+$0x0] =	vst.idx.msk $0xffff, v2  }
0x1af: {  	v3 =	vor.u32 $0x2, v1;
	v2 =	vld [tilespmem:s25+$0x40];
	_ =	sdelay $0x4  }
0x1b0: {  	[tilespmem:v3+s17+$0x0] =	vst.idx.msk $0xffff, v2  }
0x1b1: {  	v1 =	vor.u32 $0x3, v1;
	v2 =	vld [tilespmem:s25+$0xC0];
	_ =	sdelay $0x2  }
0x1b2: {  	s29 =	sadd.s32 $0xFFFFFFE0, s26  }
0x1b3: {  	v3 =	vmov s29  }
0x1b4: {  	[tilespmem:v1+s17+$0x0] =	vst.idx.msk $0xffff, v2;
	v1 =	vshll.u32 v3, $0x3  }
0x1b5: {  	v2 =	vld [tilespmem:s25+$0xFFFFFF50];
	v1 =	vor.u32 v0, v1;
	_ =	sdelay $0x4  }
0x1b6: {  	[tilespmem:v1+s17+$0x0] =	vst.idx.msk $0xffff, v2  }
0x1b7: {  	v3 =	vor.u32 $0x1, v1;
	v2 =	vld [tilespmem:s25+$0xFFFFFFD0];
	_ =	sdelay $0x4  }
0x1b8: {  	[tilespmem:v3+s17+$0x0] =	vst.idx.msk $0xffff, v2  }
0x1b9: {  	v3 =	vor.u32 $0x2, v1;
	v2 =	vld [tilespmem:s25+$0x50];
	_ =	sdelay $0x4  }
0x1ba: {  	[tilespmem:v3+s17+$0x0] =	vst.idx.msk $0xffff, v2  }
0x1bb: {  	v1 =	vor.u32 $0x3, v1;
	v2 =	vld [tilespmem:s25+$0xD0];
	_ =	sdelay $0x2  }
0x1bc: {  	s29 =	sadd.s32 $0xFFFFFFF0, s26  }
0x1bd: {  	v3 =	vmov s29  }
0x1be: {  	[tilespmem:v1+s17+$0x0] =	vst.idx.msk $0xffff, v2;
	v1 =	vshll.u32 v3, $0x3  }
0x1bf: {  	v2 =	vld [tilespmem:s25+$0xFFFFFF60];
	v1 =	vor.u32 v0, v1;
	_ =	sdelay $0x4  }
0x1c0: {  	[tilespmem:v1+s17+$0x0] =	vst.idx.msk $0xffff, v2  }
0x1c1: {  	v3 =	vor.u32 $0x1, v1;
	v2 =	vld [tilespmem:s25+$0xFFFFFFE0];
	_ =	sdelay $0x4  }
0x1c2: {  	[tilespmem:v3+s17+$0x0] =	vst.idx.msk $0xffff, v2  }
0x1c3: {  	v3 =	vor.u32 $0x2, v1;
	v2 =	vld [tilespmem:s25+$0x60];
	_ =	sdelay $0x4  }
0x1c4: {  	[tilespmem:v3+s17+$0x0] =	vst.idx.msk $0xffff, v2  }
0x1c5: {  	v1 =	vor.u32 $0x3, v1;
	v2 =	vld [tilespmem:s25+$0xE0];
	_ =	sdelay $0x3  }
0x1c6: {  	v3 =	vmov s26;
	s26 =	smov.u32 s28  }
0x1c7: {  	[tilespmem:v1+s17+$0x0] =	vst.idx.msk $0xffff, v2;
	v1 =	vshll.u32 v3, $0x3  }
0x1c8: {  	v2 =	vld [tilespmem:s25+$0xFFFFFF70];
	v3 =	vor.u32 v0, v1;
	_ =	sdelay $0x4  }
0x1c9: {  	[tilespmem:v3+s17+$0x0] =	vst.idx.msk $0xffff, v2  }
0x1ca: {  	v2 =	vor.u32 $0x1, v3;
	v1 =	vld [tilespmem:s25+$0xFFFFFFF0];
	_ =	sdelay $0x4  }
0x1cb: {  	[tilespmem:v2+s17+$0x0] =	vst.idx.msk $0xffff, v1  }
0x1cc: {  	v2 =	vor.u32 $0x2, v3;
	v1 =	vld [tilespmem:s25+$0x70];
	_ =	sdelay $0x4  }
.Ltmp6:
0x1cd: {  	[tilespmem:v2+s17+$0x0] =	vst.idx.msk $0xffff, v1;
	(pc) =	sbr.rel @p0 .LBB2_6-.Ltmp6, $2  }
0x1ce: {  	v2 =	vor.u32 $0x3, v3;
	v1 =	vld [tilespmem:s25+$0xF0];
	_ =	sdelay $0x2  }
0x1cf: {  	s28 =	sadd.s32 $0x80, s28;
	s29 =	sadd.s32 $0xFFFFFF90, s26  }
0x1d0: {  	_ =	sdelay $0x2  }
0x1d1: {  	v3 =	vmov s29  }
0x1d2: {  	s25 =	sadd.s32 $0x200, s25;
	v3 =	vshll.u32 v3, $0x3;
	[tilespmem:v2+s17+$0x0] =	vst.idx.msk $0xffff, v1  }
0x1d3: {  	v1 =	vld [tilespmem:s25+$0xFFFFFF00];
	v2 =	vor.u32 v0, v3;
	_ =	sdelay $0x4  }
0x1d4: {  	[tilespmem:v2+s17+$0x0] =	vst.idx.msk $0xffff, v1  }
0x1d5: {  	v3 =	vor.u32 $0x1, v2;
	v1 =	vld [tilespmem:s25+$0xFFFFFF80];
	_ =	sdelay $0x4  }
0x1d6: {  	[tilespmem:v3+s17+$0x0] =	vst.idx.msk $0xffff, v1  }
0x1d7: {  	v3 =	vor.u32 $0x2, v2;
	v1 =	vld [tilespmem:s25+$0x0];
	_ =	sdelay $0x4  }
0x1d8: {  	[tilespmem:v3+s17+$0x0] =	vst.idx.msk $0xffff, v1  }
0x1d9: {  	v2 =	vor.u32 $0x3, v2;
	v1 =	vld [tilespmem:s25+$0x80];
	_ =	sdelay $0x2  }
0x1da: {  	s28 =	sadd.s32 $0xFFFFFFA0, s26  }
0x1db: {  	v3 =	vmov s28  }
0x1dc: {  	[tilespmem:v2+s17+$0x0] =	vst.idx.msk $0xffff, v1;
	v1 =	vshll.u32 v3, $0x3  }
0x1dd: {  	v2 =	vld [tilespmem:s25+$0xFFFFFF10];
	v1 =	vor.u32 v0, v1;
	_ =	sdelay $0x4  }
0x1de: {  	[tilespmem:v1+s17+$0x0] =	vst.idx.msk $0xffff, v2  }
0x1df: {  	v3 =	vor.u32 $0x1, v1;
	v2 =	vld [tilespmem:s25+$0xFFFFFF90];
	_ =	sdelay $0x4  }
0x1e0: {  	[tilespmem:v3+s17+$0x0] =	vst.idx.msk $0xffff, v2  }
0x1e1: {  	v3 =	vor.u32 $0x2, v1;
	v2 =	vld [tilespmem:s25+$0x10];
	_ =	sdelay $0x4  }
0x1e2: {  	[tilespmem:v3+s17+$0x0] =	vst.idx.msk $0xffff, v2  }
0x1e3: {  	v1 =	vor.u32 $0x3, v1;
	v2 =	vld [tilespmem:s25+$0x90];
	_ =	sdelay $0x2  }
0x1e4: {  	s30 =	sadd.s32 $0xFFFFFFB0, s26  }
0x1e5: {  	v3 =	vmov s30  }
0x1e6: {  	[tilespmem:v1+s17+$0x0] =	vst.idx.msk $0xffff, v2;
	v1 =	vshll.u32 v3, $0x3  }
0x1e7: {  	v2 =	vld [tilespmem:s25+$0xFFFFFF20];
	v1 =	vor.u32 v0, v1;
	_ =	sdelay $0x4  }
0x1e8: {  	[tilespmem:v1+s17+$0x0] =	vst.idx.msk $0xffff, v2  }
0x1e9: {  	v3 =	vor.u32 $0x1, v1;
	v2 =	vld [tilespmem:s25+$0xFFFFFFA0];
	_ =	sdelay $0x4  }
0x1ea: {  	[tilespmem:v3+s17+$0x0] =	vst.idx.msk $0xffff, v2  }
0x1eb: {  	v3 =	vor.u32 $0x2, v1;
	v2 =	vld [tilespmem:s25+$0x20];
	_ =	sdelay $0x4  }
0x1ec: {  	[tilespmem:v3+s17+$0x0] =	vst.idx.msk $0xffff, v2  }
0x1ed: {  	v1 =	vor.u32 $0x3, v1;
	v2 =	vld [tilespmem:s25+$0xA0];
	_ =	sdelay $0x2  }
0x1ee: {  	s31 =	sadd.s32 $0xFFFFFFC0, s26  }
0x1ef: {  	v3 =	vmov s31  }
0x1f0: {  	[tilespmem:v1+s17+$0x0] =	vst.idx.msk $0xffff, v2;
	v1 =	vshll.u32 v3, $0x3  }
0x1f1: {  	v2 =	vld [tilespmem:s25+$0xFFFFFF30];
	v1 =	vor.u32 v0, v1;
	_ =	sdelay $0x4  }
0x1f2: {  	[tilespmem:v1+s17+$0x0] =	vst.idx.msk $0xffff, v2  }
0x1f3: {  	v3 =	vor.u32 $0x1, v1;
	v2 =	vld [tilespmem:s25+$0xFFFFFFB0];
	_ =	sdelay $0x4  }
0x1f4: {  	[tilespmem:v3+s17+$0x0] =	vst.idx.msk $0xffff, v2  }
0x1f5: {  	v3 =	vor.u32 $0x2, v1;
	v2 =	vld [tilespmem:s25+$0x30];
	_ =	sdelay $0x4  }
0x1f6: {  	[tilespmem:v3+s17+$0x0] =	vst.idx.msk $0xffff, v2  }
0x1f7: {  	v1 =	vor.u32 $0x3, v1;
	v2 =	vld [tilespmem:s25+$0xB0];
	_ =	sdelay $0x2  }
0x1f8: {  	s29 =	sadd.s32 $0xFFFFFFD0, s26  }
0x1f9: {  	v3 =	vmov s29  }
0x1fa: {  	[tilespmem:v1+s17+$0x0] =	vst.idx.msk $0xffff, v2;
	v1 =	vshll.u32 v3, $0x3  }
0x1fb: {  	v2 =	vld [tilespmem:s25+$0xFFFFFF40];
	v1 =	vor.u32 v0, v1;
	_ =	sdelay $0x4  }
0x1fc: {  	[tilespmem:v1+s17+$0x0] =	vst.idx.msk $0xffff, v2  }
0x1fd: {  	v3 =	vor.u32 $0x1, v1;
	v2 =	vld [tilespmem:s25+$0xFFFFFFC0];
	_ =	sdelay $0x4  }
0x1fe: {  	[tilespmem:v3+s17+$0x0] =	vst.idx.msk $0xffff, v2  }
0x1ff: {  	v3 =	vor.u32 $0x2, v1;
	v2 =	vld [tilespmem:s25+$0x40];
	_ =	sdelay $0x4  }
0x200: {  	[tilespmem:v3+s17+$0x0] =	vst.idx.msk $0xffff, v2  }
0x201: {  	v1 =	vor.u32 $0x3, v1;
	v2 =	vld [tilespmem:s25+$0xC0];
	_ =	sdelay $0x2  }
0x202: {  	s30 =	sadd.s32 $0xFFFFFFE0, s26  }
0x203: {  	v3 =	vmov s30  }
0x204: {  	[tilespmem:v1+s17+$0x0] =	vst.idx.msk $0xffff, v2;
	v1 =	vshll.u32 v3, $0x3  }
0x205: {  	v2 =	vld [tilespmem:s25+$0xFFFFFF50];
	v1 =	vor.u32 v0, v1;
	_ =	sdelay $0x4  }
0x206: {  	[tilespmem:v1+s17+$0x0] =	vst.idx.msk $0xffff, v2  }
0x207: {  	v3 =	vor.u32 $0x1, v1;
	v2 =	vld [tilespmem:s25+$0xFFFFFFD0];
	_ =	sdelay $0x4  }
0x208: {  	[tilespmem:v3+s17+$0x0] =	vst.idx.msk $0xffff, v2  }
0x209: {  	v3 =	vor.u32 $0x2, v1;
	v2 =	vld [tilespmem:s25+$0x50];
	_ =	sdelay $0x4  }
0x20a: {  	[tilespmem:v3+s17+$0x0] =	vst.idx.msk $0xffff, v2  }
0x20b: {  	v1 =	vor.u32 $0x3, v1;
	v2 =	vld [tilespmem:s25+$0xD0];
	_ =	sdelay $0x2  }
0x20c: {  	s31 =	sadd.s32 $0xFFFFFFF0, s26  }
0x20d: {  	v3 =	vmov s31  }
0x20e: {  	[tilespmem:v1+s17+$0x0] =	vst.idx.msk $0xffff, v2;
	v1 =	vshll.u32 v3, $0x3  }
0x20f: {  	v2 =	vld [tilespmem:s25+$0xFFFFFF60];
	v1 =	vor.u32 v0, v1;
	_ =	sdelay $0x4  }
0x210: {  	[tilespmem:v1+s17+$0x0] =	vst.idx.msk $0xffff, v2  }
0x211: {  	v3 =	vor.u32 $0x1, v1;
	v2 =	vld [tilespmem:s25+$0xFFFFFFE0];
	_ =	sdelay $0x4  }
0x212: {  	[tilespmem:v3+s17+$0x0] =	vst.idx.msk $0xffff, v2  }
0x213: {  	v3 =	vor.u32 $0x2, v1;
	v2 =	vld [tilespmem:s25+$0x60];
	_ =	sdelay $0x4  }
0x214: {  	[tilespmem:v3+s17+$0x0] =	vst.idx.msk $0xffff, v2  }
0x215: {  	v1 =	vor.u32 $0x3, v1;
	v2 =	vld [tilespmem:s25+$0xE0];
	_ =	sdelay $0x3  }
0x216: {  	v3 =	vmov s26  }
0x217: {  	[tilespmem:v1+s17+$0x0] =	vst.idx.msk $0xffff, v2;
	v1 =	vshll.u32 v3, $0x3  }
0x218: {  	v2 =	vld [tilespmem:s25+$0xFFFFFF70];
	v1 =	vor.u32 v0, v1;
	_ =	sdelay $0x4  }
0x219: {  	[tilespmem:v1+s17+$0x0] =	vst.idx.msk $0xffff, v2  }
0x21a: {  	v3 =	vor.u32 $0x1, v1;
	v2 =	vld [tilespmem:s25+$0xFFFFFFF0];
	_ =	sdelay $0x4  }
0x21b: {  	[tilespmem:v3+s17+$0x0] =	vst.idx.msk $0xffff, v2  }
0x21c: {  	v3 =	vor.u32 $0x2, v1;
	v2 =	vld [tilespmem:s25+$0x70];
	_ =	sdelay $0x4  }
0x21d: {  	[tilespmem:v3+s17+$0x0] =	vst.idx.msk $0xffff, v2  }
0x21e: {  	v1 =	vor.u32 $0x3, v1;
	v2 =	vld [tilespmem:s25+$0xF0];
	_ =	sdelay $0x4  }
.Ltmp7:
0x21f: {  	[tilespmem:v1+s17+$0x0] =	vst.idx.msk $0xffff, v2;
	(pc) =	sbr.rel .LBB2_8-.Ltmp7, $4  }
0x220: {  	[spmem:s4] =	stream.indirect.scatter.add.f32 [tilespmem:s17], [sflag:$0x3], $0x8, s22, s18, $0xb8;
	[tilespmem:$0x15380] =	vst v63  }
0x221: {  	_ =	swait.ge [sflag:s16], $0x4000  }
0x222: {  	[sflag:s16] =	ssyncset.done $0x0  }
0x223: {  	[sflag:s16] =	ssyncadd.s32 $0xFFFFC000  }
.LBB2_10:
0x224: {  	_ =	sfence.sel $0x180000  }
0x225: {  	[bflag:$0x0] =	sbarrier.arrive $0xFFFF  }
0x226: {  	p0 =	sne.s32 s3, $0x0;
	_ =	strace $0x90000047  }
0x227: {  	s0 =	sadd.s32 @!p0 $0x100000, s0;
	[bflag:$0x2] =	sbarrier.arrive $0xFFFF  }
0x228: {  	[sflag:s0] =	ssyncadd.tile.s32 @!p0 $0x1;
	_ =	shalt  }
.Lfunc_end2:
_tile_overlayer_lowered:
.L_overlay_start_2:
0x229: {  	(tag) =	ssettag $0x2  }
0x22a: {  	s0 =	rddreg [dreg:$0x0];
	s2 =	stileid.u32  }
0x22b: {  	s1 =	rddreg [dreg:$0x1];
	p0 =	sne.s32 s2, $0x0  }
0x22c: {  	s3 =	rddreg [dreg:$0x2];
	[bflag:$0x3] =	sbarrier.arrive $0xFFFF;
	s2 =	simm.s32 @!p0 $0x1C03  }
0x22d: {  	[timem:s3], [sflag:s2] =	dma.local @!p0 [hbm:s0], s1  }
0x22e: {  	s0 =	simm.s32 @!p0 $0x3  }
0x22f: {  	_ =	swait.ge @!p0 [sflag:s0], s1  }
0x230: {  	s1 =	ssub.s32 @!p0 $0x0, s1;
	[sflag:s0] =	ssyncset.done @!p0 $0x0  }
0x231: {  	[sflag:s0] =	ssyncadd.s32 @!p0 s1  }
0x232: {  	[bflag:$0x3] =	sbarrier.arrive $0xFFFF  }
0x233: {  	_ =	shalt  }

</sc_bundles>
